<compile_context>
chip_gen: v7x
topology: tpu7x:2x2x1
jax: 0.10.2.dev20260603
libtpu: 0.0.44.dev20260713+nightly
codegen_flags: <defaults>
</compile_context>

<pallas_src>
import functools

import jax
import jax.numpy as jnp
from jax import lax
from jax.experimental import pallas as pl
from jax.experimental.pallas import tpu as pltpu
from jax.experimental.pallas import tpu_sc as plsc

VOCAB = 512
HIDDEN = 2048
BATCH = 4
SEQ_LEN = 8192
B_TOTAL = BATCH * SEQ_LEN

NUM_CORES = 2
NUM_SUBCORES = 16
NUM_WORKERS = NUM_CORES * NUM_SUBCORES
B_PER_W = B_TOTAL // NUM_WORKERS
G = 16
NGRP = B_PER_W // G
V_PER_S = VOCAB // NUM_SUBCORES

_mesh = plsc.VectorSubcoreMesh(core_axis_name="c", subcore_axis_name="s")


@functools.partial(
    pl.kernel,
    mesh=_mesh,
    out_type=jax.ShapeDtypeStruct((B_TOTAL, HIDDEN), jnp.float32),
    scratch_types=[
        pltpu.VMEM((B_PER_W,), jnp.int32),
        pltpu.VMEM_SHARED((VOCAB, HIDDEN), jnp.float32),
        pltpu.SemaphoreType.DMA,
    ],
)
def _gather_kernel(table_hbm, idx_hbm, out_hbm, idx_v, table_sp, wsem):
    cid = lax.axis_index("c")
    sid = lax.axis_index("s")
    wid = sid * NUM_CORES + cid
    base = wid * B_PER_W

    vbase = sid * V_PER_S
    pltpu.sync_copy(
        table_hbm.at[pl.ds(vbase, V_PER_S)], table_sp.at[pl.ds(vbase, V_PER_S)]
    )
    stripes_per_row = SEQ_LEN // B_PER_W
    pltpu.sync_copy(
        idx_hbm.at[wid // stripes_per_row,
                   pl.ds((wid % stripes_per_row) * B_PER_W, B_PER_W)],
        idx_v,
    )
    plsc.subcore_barrier()

    def fire_group(g):
        rows = idx_v[pl.ds(g * G, G)]
        obase = base + g * G
        for lane in range(G):
            row = rows[lane]
            pltpu.async_copy(
                table_sp.at[pl.ds(row, 1)],
                out_hbm.at[pl.ds(obase + lane, 1)],
                wsem,
            )

    def wait_group():
        pltpu.make_async_copy(
            table_sp.at[pl.ds(0, G)], out_hbm.at[pl.ds(base, G)], wsem
        ).wait()

    fire_group(0)
    fire_group(1)

    def body(g, _):
        @pl.when(g + 2 < NGRP)
        def _():
            fire_group(g + 2)

        wait_group()
        return 0

    lax.fori_loop(0, NGRP, body, 0)


def kernel(input_ids, table):
    out = _gather_kernel(table, input_ids.astype(jnp.int32))
    return out.reshape(BATCH, SEQ_LEN, HIDDEN)

# --- scband reference (transcript-rebuilt; emitter-appended) ---
"""Pipeline reference for scband-dummy-vlmbackbone-20263655702716 (READ-ONLY COPY).

The authoritative reference and input builder live on the scoring server;
editing this copy changes nothing except your own understanding.
"""

import jax, jax.numpy as jnp
import numpy as np

VOCAB = 512
HIDDEN = 2048
BATCH = 4
SEQ = 8192

def setup_inputs(seed: int = 0) -> dict:
    key = jax.random.key(seed)
    k1, k2 = jax.random.split(key)
    input_ids = jax.random.randint(k1, (BATCH, SEQ), 0, VOCAB, dtype=jnp.int64 if jax.config.jax_enable_x64 else jnp.int32)
    table = jax.random.normal(k2, (VOCAB, HIDDEN), dtype=jnp.float32)
    return {"input_ids": input_ids, "table": table}

def reference(input_ids, table):
    # DummyVLMBackbone.forward: inputs_embeds = self.embedding(input_ids);
    # returns SimpleNamespace(last_hidden_state=inputs_embeds, ...)
    inputs_embeds = jnp.take(table, input_ids, axis=0)
    return inputs_embeds

if __name__ == "__main__":
    import jax
    _d = setup_inputs()
    print(jax.jit(kernel)(*tuple(_d.values())))

</pallas_src>

<mosaic_0001>
#map = affine_map<(d0, d1) -> (0, 0)>
module attributes {stable_mosaic.version = 14 : i64} {
  func.func @_gather_kernel(%arg0: i32, %arg1: i32, %arg2: memref<512x2048xf32, #tpu.memory_space<hbm>>, %arg3: memref<4x8192xi32, #tpu.memory_space<hbm>>, %arg4: memref<32768x2048xf32, #tpu.memory_space<hbm>>, %arg5: memref<1024xi32, #tpu.memory_space<vmem>>, %arg6: memref<512x2048xf32, #tpu.memory_space<vmem_shared>>, %arg7: memref<!tpu.dma_semaphore, #tpu.memory_space<semaphore_mem>>) attributes {dimension_semantics = [#tpu.dimension_semantics<core_parallel>, #tpu.dimension_semantics<subcore_parallel>], iteration_bounds = array<i64: 2, 16>, scalar_prefetch = 0 : i64, scratch_operands = 3 : i64, tpu.core_type = #tpu.core_type<sc_vector_subcore>, window_params = [{transform_indices = #map}, {transform_indices = #map}, {transform_indices = #map}]} {
    %mul3A = arith.constant 2 : i32
    %mul3A_0 = arith.muli %arg1, %mul3A : i32
    %add3A = arith.addi %mul3A_0, %arg0 : i32
    %mul3A_1 = arith.constant 1024 : i32
    %mul3A_2 = arith.muli %add3A, %mul3A_1 : i32
    %mul3A_3 = arith.constant 32 : i32
    %mul3A_4 = arith.muli %arg1, %mul3A_3 : i32
    "tpu.region"() ({
      %run_scoped3A = tpu.sem_alloc : memref<!tpu.dma_semaphore, #tpu.memory_space<semaphore_mem>>
      %dma_start3A_305 = arith.constant 0 : i32
      %dma_start3A_306 = tpu.memref_slice %arg6[%mul3A_4, %dma_start3A_305] : memref<512x2048xf32, #tpu.memory_space<vmem_shared>> -> memref<32x2048xf32, #tpu.memory_space<vmem_shared>>
      %dma_start3A_307 = arith.constant 0 : i32
      %dma_start3A_308 = tpu.memref_slice %arg2[%mul3A_4, %dma_start3A_307] : memref<512x2048xf32, #tpu.memory_space<hbm>> -> memref<32x2048xf32, #tpu.memory_space<hbm>>
      tpu.enqueue_dma source(%dma_start3A_308 : memref<32x2048xf32, #tpu.memory_space<hbm>>) target(%dma_start3A_306 : memref<32x2048xf32, #tpu.memory_space<vmem_shared>>) target_semaphore(%run_scoped3A : memref<!tpu.dma_semaphore, #tpu.memory_space<semaphore_mem>>)
      %dma_wait3A = arith.constant 0 : i32
      %dma_wait3A_309 = tpu.memref_slice %arg6[%mul3A_4, %dma_wait3A] : memref<512x2048xf32, #tpu.memory_space<vmem_shared>> -> memref<32x2048xf32, #tpu.memory_space<vmem_shared>>
      %dma_wait3A_310 = arith.constant 0 : i32
      %dma_wait3A_311 = tpu.memref_slice %arg2[%mul3A_4, %dma_wait3A_310] : memref<512x2048xf32, #tpu.memory_space<hbm>> -> memref<32x2048xf32, #tpu.memory_space<hbm>>
      tpu.wait_dma2 semaphore(%run_scoped3A : memref<!tpu.dma_semaphore, #tpu.memory_space<semaphore_mem>>) src(%dma_wait3A_311 : memref<32x2048xf32, #tpu.memory_space<hbm>>) dst(%dma_wait3A_309 : memref<32x2048xf32, #tpu.memory_space<vmem_shared>>)
      tpu.yield
    }) : () -> ()
    %jit3A = arith.constant 8 : i32
    %div3A = arith.divsi %add3A, %jit3A : i32
    %sign3A = arith.constant 0 : i32
    %sign3A_5 = arith.cmpi sgt, %add3A, %sign3A : i32
    %sign3A_6 = arith.extui %sign3A_5 : i1 to i32
    %sign3A_7 = arith.constant 0 : i32
    %sign3A_8 = arith.cmpi slt, %add3A, %sign3A_7 : i32
    %sign3A_9 = arith.extui %sign3A_8 : i1 to i32
    %sign3A_10 = arith.subi %sign3A_6, %sign3A_9 : i32
    %sign3A_11 = arith.constant 0 : i32
    %sign3A_12 = arith.cmpi sgt, %jit3A, %sign3A_11 : i32
    %sign3A_13 = arith.extui %sign3A_12 : i1 to i32
    %sign3A_14 = arith.constant 0 : i32
    %sign3A_15 = arith.cmpi slt, %jit3A, %sign3A_14 : i32
    %sign3A_16 = arith.extui %sign3A_15 : i1 to i32
    %sign3A_17 = arith.subi %sign3A_13, %sign3A_16 : i32
    %ne3A = arith.cmpi ne, %sign3A_10, %sign3A_17 : i32
    %rem3A = arith.remsi %add3A, %jit3A : i32
    %ne3A_18 = arith.constant 0 : i32
    %ne3A_19 = arith.cmpi ne, %rem3A, %ne3A_18 : i32
    %and3A = arith.andi %ne3A, %ne3A_19 : i1
    %sub3A = arith.constant 1 : i32
    %sub3A_20 = arith.subi %div3A, %sub3A : i32
    %select_n3A = arith.select %and3A, %sub3A_20, %div3A : i32
    %jit3A_21 = arith.constant 8 : i32
    %eq3A = arith.constant 0 : i32
    %eq3A_22 = arith.cmpi eq, %jit3A_21, %eq3A : i32
    %jit3A_23 = arith.constant 1 : i32
    %select_n3A_24 = arith.select %eq3A_22, %jit3A_23, %jit3A_21 : i32
    %rem3A_25 = arith.remsi %add3A, %select_n3A_24 : i32
    %ne3A_26 = arith.constant 0 : i32
    %ne3A_27 = arith.cmpi ne, %rem3A_25, %ne3A_26 : i32
    %lt3A = arith.constant 0 : i32
    %lt3A_28 = arith.cmpi slt, %rem3A_25, %lt3A : i32
    %lt3A_29 = arith.constant 0 : i32
    %lt3A_30 = arith.cmpi slt, %select_n3A_24, %lt3A_29 : i32
    %ne3A_31 = arith.xori %lt3A_28, %lt3A_30 : i1
    %and3A_32 = arith.andi %ne3A_31, %ne3A_27 : i1
    %add3A_33 = arith.addi %rem3A_25, %select_n3A_24 : i32
    %select_n3A_34 = arith.select %and3A_32, %add3A_33, %rem3A_25 : i32
    %mul3A_35 = arith.constant 1024 : i32
    %mul3A_36 = arith.muli %select_n3A_34, %mul3A_35 : i32
    "tpu.region"() ({
      %run_scoped3A = tpu.sem_alloc : memref<!tpu.dma_semaphore, #tpu.memory_space<semaphore_mem>>
      %dma_start3A_305 = tpu.memref_slice %arg3[%select_n3A, %mul3A_36] : memref<4x8192xi32, #tpu.memory_space<hbm>> -> memref<1x1024xi32, #tpu.memory_space<hbm>>
      %dma_start3A_306 = tpu.memref_squeeze %dma_start3A_305 : memref<1x1024xi32, #tpu.memory_space<hbm>> -> memref<1024xi32, #tpu.memory_space<hbm>>
      %dma_start3A_307 = tpu.memref_slice %arg3[%select_n3A, %mul3A_36] : memref<4x8192xi32, #tpu.memory_space<hbm>> -> memref<1x1024xi32, #tpu.memory_space<hbm>>
      %dma_start3A_308 = tpu.memref_squeeze %dma_start3A_307 : memref<1x1024xi32, #tpu.memory_space<hbm>> -> memref<1024xi32, #tpu.memory_space<hbm>>
      tpu.enqueue_dma source(%dma_start3A_308 : memref<1024xi32, #tpu.memory_space<hbm>>) target(%arg5 : memref<1024xi32, #tpu.memory_space<vmem>>) target_semaphore(%run_scoped3A : memref<!tpu.dma_semaphore, #tpu.memory_space<semaphore_mem>>)
      %dma_wait3A = tpu.memref_slice %arg3[%select_n3A, %mul3A_36] : memref<4x8192xi32, #tpu.memory_space<hbm>> -> memref<1x1024xi32, #tpu.memory_space<hbm>>
      %dma_wait3A_309 = tpu.memref_squeeze %dma_wait3A : memref<1x1024xi32, #tpu.memory_space<hbm>> -> memref<1024xi32, #tpu.memory_space<hbm>>
      %dma_wait3A_310 = tpu.memref_slice %arg3[%select_n3A, %mul3A_36] : memref<4x8192xi32, #tpu.memory_space<hbm>> -> memref<1x1024xi32, #tpu.memory_space<hbm>>
      %dma_wait3A_311 = tpu.memref_squeeze %dma_wait3A_310 : memref<1x1024xi32, #tpu.memory_space<hbm>> -> memref<1024xi32, #tpu.memory_space<hbm>>
      tpu.wait_dma2 semaphore(%run_scoped3A : memref<!tpu.dma_semaphore, #tpu.memory_space<semaphore_mem>>) src(%dma_wait3A_311 : memref<1024xi32, #tpu.memory_space<hbm>>) dst(%arg5 : memref<1024xi32, #tpu.memory_space<vmem>>)
      tpu.yield
    }) : () -> ()
    %barrier3A = arith.constant 0 : index
    tpu.barrier barrier_id(%barrier3A)
    %get3A = arith.constant 0 : index
    %get3A_37 = tpu.vector_load %arg5[%get3A] {strides = array<i32>} : memref<1024xi32, #tpu.memory_space<vmem>>, vector<16xi32>,
    %get3A_38 = vector.shape_cast %get3A_37 : vector<16xi32> to vector<16xi32>
    %add3A_39 = arith.constant 0 : i32
    %add3A_40 = arith.addi %mul3A_2, %add3A_39 : i32
    %slice3A = vector.extract_strided_slice %get3A_38 {offsets = [0], sizes = [1], strides = [1]} : vector<16xi32> to vector<1xi32>
    %squeeze3A = vector.extract %slice3A[0] : i32 from vector<1xi32>
    %add3A_41 = arith.constant 0 : i32
    %add3A_42 = arith.addi %add3A_40, %add3A_41 : i32
    %dma_start3A = arith.constant 0 : i32
    %dma_start3A_43 = tpu.memref_slice %arg4[%add3A_42, %dma_start3A] : memref<32768x2048xf32, #tpu.memory_space<hbm>> -> memref<1x2048xf32, #tpu.memory_space<hbm>>
    %dma_start3A_44 = arith.constant 0 : i32
    %dma_start3A_45 = tpu.memref_slice %arg6[%squeeze3A, %dma_start3A_44] : memref<512x2048xf32, #tpu.memory_space<vmem_shared>> -> memref<1x2048xf32, #tpu.memory_space<vmem_shared>>
    tpu.enqueue_dma source(%dma_start3A_45 : memref<1x2048xf32, #tpu.memory_space<vmem_shared>>) target(%dma_start3A_43 : memref<1x2048xf32, #tpu.memory_space<hbm>>) target_semaphore(%arg7 : memref<!tpu.dma_semaphore, #tpu.memory_space<semaphore_mem>>)
    %slice3A_46 = vector.extract_strided_slice %get3A_38 {offsets = [1], sizes = [1], strides = [1]} : vector<16xi32> to vector<1xi32>
    %squeeze3A_47 = vector.extract %slice3A_46[0] : i32 from vector<1xi32>
    %add3A_48 = arith.constant 1 : i32
    %add3A_49 = arith.addi %add3A_40, %add3A_48 : i32
    %dma_start3A_50 = arith.constant 0 : i32
    %dma_start3A_51 = tpu.memref_slice %arg4[%add3A_49, %dma_start3A_50] : memref<32768x2048xf32, #tpu.memory_space<hbm>> -> memref<1x2048xf32, #tpu.memory_space<hbm>>
    %dma_start3A_52 = arith.constant 0 : i32
    %dma_start3A_53 = tpu.memref_slice %arg6[%squeeze3A_47, %dma_start3A_52] : memref<512x2048xf32, #tpu.memory_space<vmem_shared>> -> memref<1x2048xf32, #tpu.memory_space<vmem_shared>>
    tpu.enqueue_dma source(%dma_start3A_53 : memref<1x2048xf32, #tpu.memory_space<vmem_shared>>) target(%dma_start3A_51 : memref<1x2048xf32, #tpu.memory_space<hbm>>) target_semaphore(%arg7 : memref<!tpu.dma_semaphore, #tpu.memory_space<semaphore_mem>>)
    %slice3A_54 = vector.extract_strided_slice %get3A_38 {offsets = [2], sizes = [1], strides = [1]} : vector<16xi32> to vector<1xi32>
    %squeeze3A_55 = vector.extract %slice3A_54[0] : i32 from vector<1xi32>
    %add3A_56 = arith.constant 2 : i32
    %add3A_57 = arith.addi %add3A_40, %add3A_56 : i32
    %dma_start3A_58 = arith.constant 0 : i32
    %dma_start3A_59 = tpu.memref_slice %arg4[%add3A_57, %dma_start3A_58] : memref<32768x2048xf32, #tpu.memory_space<hbm>> -> memref<1x2048xf32, #tpu.memory_space<hbm>>
    %dma_start3A_60 = arith.constant 0 : i32
    %dma_start3A_61 = tpu.memref_slice %arg6[%squeeze3A_55, %dma_start3A_60] : memref<512x2048xf32, #tpu.memory_space<vmem_shared>> -> memref<1x2048xf32, #tpu.memory_space<vmem_shared>>
    tpu.enqueue_dma source(%dma_start3A_61 : memref<1x2048xf32, #tpu.memory_space<vmem_shared>>) target(%dma_start3A_59 : memref<1x2048xf32, #tpu.memory_space<hbm>>) target_semaphore(%arg7 : memref<!tpu.dma_semaphore, #tpu.memory_space<semaphore_mem>>)
    %slice3A_62 = vector.extract_strided_slice %get3A_38 {offsets = [3], sizes = [1], strides = [1]} : vector<16xi32> to vector<1xi32>
    %squeeze3A_63 = vector.extract %slice3A_62[0] : i32 from vector<1xi32>
    %add3A_64 = arith.constant 3 : i32
    %add3A_65 = arith.addi %add3A_40, %add3A_64 : i32
    %dma_start3A_66 = arith.constant 0 : i32
    %dma_start3A_67 = tpu.memref_slice %arg4[%add3A_65, %dma_start3A_66] : memref<32768x2048xf32, #tpu.memory_space<hbm>> -> memref<1x2048xf32, #tpu.memory_space<hbm>>
    %dma_start3A_68 = arith.constant 0 : i32
    %dma_start3A_69 = tpu.memref_slice %arg6[%squeeze3A_63, %dma_start3A_68] : memref<512x2048xf32, #tpu.memory_space<vmem_shared>> -> memref<1x2048xf32, #tpu.memory_space<vmem_shared>>
    tpu.enqueue_dma source(%dma_start3A_69 : memref<1x2048xf32, #tpu.memory_space<vmem_shared>>) target(%dma_start3A_67 : memref<1x2048xf32, #tpu.memory_space<hbm>>) target_semaphore(%arg7 : memref<!tpu.dma_semaphore, #tpu.memory_space<semaphore_mem>>)
    %slice3A_70 = vector.extract_strided_slice %get3A_38 {offsets = [4], sizes = [1], strides = [1]} : vector<16xi32> to vector<1xi32>
    %squeeze3A_71 = vector.extract %slice3A_70[0] : i32 from vector<1xi32>
    %add3A_72 = arith.constant 4 : i32
    %add3A_73 = arith.addi %add3A_40, %add3A_72 : i32
    %dma_start3A_74 = arith.constant 0 : i32
    %dma_start3A_75 = tpu.memref_slice %arg4[%add3A_73, %dma_start3A_74] : memref<32768x2048xf32, #tpu.memory_space<hbm>> -> memref<1x2048xf32, #tpu.memory_space<hbm>>
    %dma_start3A_76 = arith.constant 0 : i32
    %dma_start3A_77 = tpu.memref_slice %arg6[%squeeze3A_71, %dma_start3A_76] : memref<512x2048xf32, #tpu.memory_space<vmem_shared>> -> memref<1x2048xf32, #tpu.memory_space<vmem_shared>>
    tpu.enqueue_dma source(%dma_start3A_77 : memref<1x2048xf32, #tpu.memory_space<vmem_shared>>) target(%dma_start3A_75 : memref<1x2048xf32, #tpu.memory_space<hbm>>) target_semaphore(%arg7 : memref<!tpu.dma_semaphore, #tpu.memory_space<semaphore_mem>>)
    %slice3A_78 = vector.extract_strided_slice %get3A_38 {offsets = [5], sizes = [1], strides = [1]} : vector<16xi32> to vector<1xi32>
    %squeeze3A_79 = vector.extract %slice3A_78[0] : i32 from vector<1xi32>
    %add3A_80 = arith.constant 5 : i32
    %add3A_81 = arith.addi %add3A_40, %add3A_80 : i32
    %dma_start3A_82 = arith.constant 0 : i32
    %dma_start3A_83 = tpu.memref_slice %arg4[%add3A_81, %dma_start3A_82] : memref<32768x2048xf32, #tpu.memory_space<hbm>> -> memref<1x2048xf32, #tpu.memory_space<hbm>>
    %dma_start3A_84 = arith.constant 0 : i32
    %dma_start3A_85 = tpu.memref_slice %arg6[%squeeze3A_79, %dma_start3A_84] : memref<512x2048xf32, #tpu.memory_space<vmem_shared>> -> memref<1x2048xf32, #tpu.memory_space<vmem_shared>>
    tpu.enqueue_dma source(%dma_start3A_85 : memref<1x2048xf32, #tpu.memory_space<vmem_shared>>) target(%dma_start3A_83 : memref<1x2048xf32, #tpu.memory_space<hbm>>) target_semaphore(%arg7 : memref<!tpu.dma_semaphore, #tpu.memory_space<semaphore_mem>>)
    %slice3A_86 = vector.extract_strided_slice %get3A_38 {offsets = [6], sizes = [1], strides = [1]} : vector<16xi32> to vector<1xi32>
    %squeeze3A_87 = vector.extract %slice3A_86[0] : i32 from vector<1xi32>
    %add3A_88 = arith.constant 6 : i32
    %add3A_89 = arith.addi %add3A_40, %add3A_88 : i32
    %dma_start3A_90 = arith.constant 0 : i32
    %dma_start3A_91 = tpu.memref_slice %arg4[%add3A_89, %dma_start3A_90] : memref<32768x2048xf32, #tpu.memory_space<hbm>> -> memref<1x2048xf32, #tpu.memory_space<hbm>>
    %dma_start3A_92 = arith.constant 0 : i32
    %dma_start3A_93 = tpu.memref_slice %arg6[%squeeze3A_87, %dma_start3A_92] : memref<512x2048xf32, #tpu.memory_space<vmem_shared>> -> memref<1x2048xf32, #tpu.memory_space<vmem_shared>>
    tpu.enqueue_dma source(%dma_start3A_93 : memref<1x2048xf32, #tpu.memory_space<vmem_shared>>) target(%dma_start3A_91 : memref<1x2048xf32, #tpu.memory_space<hbm>>) target_semaphore(%arg7 : memref<!tpu.dma_semaphore, #tpu.memory_space<semaphore_mem>>)
    %slice3A_94 = vector.extract_strided_slice %get3A_38 {offsets = [7], sizes = [1], strides = [1]} : vector<16xi32> to vector<1xi32>
    %squeeze3A_95 = vector.extract %slice3A_94[0] : i32 from vector<1xi32>
    %add3A_96 = arith.constant 7 : i32
    %add3A_97 = arith.addi %add3A_40, %add3A_96 : i32
    %dma_start3A_98 = arith.constant 0 : i32
    %dma_start3A_99 = tpu.memref_slice %arg4[%add3A_97, %dma_start3A_98] : memref<32768x2048xf32, #tpu.memory_space<hbm>> -> memref<1x2048xf32, #tpu.memory_space<hbm>>
    %dma_start3A_100 = arith.constant 0 : i32
    %dma_start3A_101 = tpu.memref_slice %arg6[%squeeze3A_95, %dma_start3A_100] : memref<512x2048xf32, #tpu.memory_space<vmem_shared>> -> memref<1x2048xf32, #tpu.memory_space<vmem_shared>>
    tpu.enqueue_dma source(%dma_start3A_101 : memref<1x2048xf32, #tpu.memory_space<vmem_shared>>) target(%dma_start3A_99 : memref<1x2048xf32, #tpu.memory_space<hbm>>) target_semaphore(%arg7 : memref<!tpu.dma_semaphore, #tpu.memory_space<semaphore_mem>>)
    %slice3A_102 = vector.extract_strided_slice %get3A_38 {offsets = [8], sizes = [1], strides = [1]} : vector<16xi32> to vector<1xi32>
    %squeeze3A_103 = vector.extract %slice3A_102[0] : i32 from vector<1xi32>
    %add3A_104 = arith.constant 8 : i32
    %add3A_105 = arith.addi %add3A_40, %add3A_104 : i32
    %dma_start3A_106 = arith.constant 0 : i32
    %dma_start3A_107 = tpu.memref_slice %arg4[%add3A_105, %dma_start3A_106] : memref<32768x2048xf32, #tpu.memory_space<hbm>> -> memref<1x2048xf32, #tpu.memory_space<hbm>>
    %dma_start3A_108 = arith.constant 0 : i32
    %dma_start3A_109 = tpu.memref_slice %arg6[%squeeze3A_103, %dma_start3A_108] : memref<512x2048xf32, #tpu.memory_space<vmem_shared>> -> memref<1x2048xf32, #tpu.memory_space<vmem_shared>>
    tpu.enqueue_dma source(%dma_start3A_109 : memref<1x2048xf32, #tpu.memory_space<vmem_shared>>) target(%dma_start3A_107 : memref<1x2048xf32, #tpu.memory_space<hbm>>) target_semaphore(%arg7 : memref<!tpu.dma_semaphore, #tpu.memory_space<semaphore_mem>>)
    %slice3A_110 = vector.extract_strided_slice %get3A_38 {offsets = [9], sizes = [1], strides = [1]} : vector<16xi32> to vector<1xi32>
    %squeeze3A_111 = vector.extract %slice3A_110[0] : i32 from vector<1xi32>
    %add3A_112 = arith.constant 9 : i32
    %add3A_113 = arith.addi %add3A_40, %add3A_112 : i32
    %dma_start3A_114 = arith.constant 0 : i32
    %dma_start3A_115 = tpu.memref_slice %arg4[%add3A_113, %dma_start3A_114] : memref<32768x2048xf32, #tpu.memory_space<hbm>> -> memref<1x2048xf32, #tpu.memory_space<hbm>>
    %dma_start3A_116 = arith.constant 0 : i32
    %dma_start3A_117 = tpu.memref_slice %arg6[%squeeze3A_111, %dma_start3A_116] : memref<512x2048xf32, #tpu.memory_space<vmem_shared>> -> memref<1x2048xf32, #tpu.memory_space<vmem_shared>>
    tpu.enqueue_dma source(%dma_start3A_117 : memref<1x2048xf32, #tpu.memory_space<vmem_shared>>) target(%dma_start3A_115 : memref<1x2048xf32, #tpu.memory_space<hbm>>) target_semaphore(%arg7 : memref<!tpu.dma_semaphore, #tpu.memory_space<semaphore_mem>>)
    %slice3A_118 = vector.extract_strided_slice %get3A_38 {offsets = [10], sizes = [1], strides = [1]} : vector<16xi32> to vector<1xi32>
    %squeeze3A_119 = vector.extract %slice3A_118[0] : i32 from vector<1xi32>
    %add3A_120 = arith.constant 10 : i32
    %add3A_121 = arith.addi %add3A_40, %add3A_120 : i32
    %dma_start3A_122 = arith.constant 0 : i32
    %dma_start3A_123 = tpu.memref_slice %arg4[%add3A_121, %dma_start3A_122] : memref<32768x2048xf32, #tpu.memory_space<hbm>> -> memref<1x2048xf32, #tpu.memory_space<hbm>>
    %dma_start3A_124 = arith.constant 0 : i32
    %dma_start3A_125 = tpu.memref_slice %arg6[%squeeze3A_119, %dma_start3A_124] : memref<512x2048xf32, #tpu.memory_space<vmem_shared>> -> memref<1x2048xf32, #tpu.memory_space<vmem_shared>>
    tpu.enqueue_dma source(%dma_start3A_125 : memref<1x2048xf32, #tpu.memory_space<vmem_shared>>) target(%dma_start3A_123 : memref<1x2048xf32, #tpu.memory_space<hbm>>) target_semaphore(%arg7 : memref<!tpu.dma_semaphore, #tpu.memory_space<semaphore_mem>>)
    %slice3A_126 = vector.extract_strided_slice %get3A_38 {offsets = [11], sizes = [1], strides = [1]} : vector<16xi32> to vector<1xi32>
    %squeeze3A_127 = vector.extract %slice3A_126[0] : i32 from vector<1xi32>
    %add3A_128 = arith.constant 11 : i32
    %add3A_129 = arith.addi %add3A_40, %add3A_128 : i32
    %dma_start3A_130 = arith.constant 0 : i32
    %dma_start3A_131 = tpu.memref_slice %arg4[%add3A_129, %dma_start3A_130] : memref<32768x2048xf32, #tpu.memory_space<hbm>> -> memref<1x2048xf32, #tpu.memory_space<hbm>>
    %dma_start3A_132 = arith.constant 0 : i32
    %dma_start3A_133 = tpu.memref_slice %arg6[%squeeze3A_127, %dma_start3A_132] : memref<512x2048xf32, #tpu.memory_space<vmem_shared>> -> memref<1x2048xf32, #tpu.memory_space<vmem_shared>>
    tpu.enqueue_dma source(%dma_start3A_133 : memref<1x2048xf32, #tpu.memory_space<vmem_shared>>) target(%dma_start3A_131 : memref<1x2048xf32, #tpu.memory_space<hbm>>) target_semaphore(%arg7 : memref<!tpu.dma_semaphore, #tpu.memory_space<semaphore_mem>>)
    %slice3A_134 = vector.extract_strided_slice %get3A_38 {offsets = [12], sizes = [1], strides = [1]} : vector<16xi32> to vector<1xi32>
    %squeeze3A_135 = vector.extract %slice3A_134[0] : i32 from vector<1xi32>
    %add3A_136 = arith.constant 12 : i32
    %add3A_137 = arith.addi %add3A_40, %add3A_136 : i32
    %dma_start3A_138 = arith.constant 0 : i32
    %dma_start3A_139 = tpu.memref_slice %arg4[%add3A_137, %dma_start3A_138] : memref<32768x2048xf32, #tpu.memory_space<hbm>> -> memref<1x2048xf32, #tpu.memory_space<hbm>>
    %dma_start3A_140 = arith.constant 0 : i32
    %dma_start3A_141 = tpu.memref_slice %arg6[%squeeze3A_135, %dma_start3A_140] : memref<512x2048xf32, #tpu.memory_space<vmem_shared>> -> memref<1x2048xf32, #tpu.memory_space<vmem_shared>>
    tpu.enqueue_dma source(%dma_start3A_141 : memref<1x2048xf32, #tpu.memory_space<vmem_shared>>) target(%dma_start3A_139 : memref<1x2048xf32, #tpu.memory_space<hbm>>) target_semaphore(%arg7 : memref<!tpu.dma_semaphore, #tpu.memory_space<semaphore_mem>>)
    %slice3A_142 = vector.extract_strided_slice %get3A_38 {offsets = [13], sizes = [1], strides = [1]} : vector<16xi32> to vector<1xi32>
    %squeeze3A_143 = vector.extract %slice3A_142[0] : i32 from vector<1xi32>
    %add3A_144 = arith.constant 13 : i32
    %add3A_145 = arith.addi %add3A_40, %add3A_144 : i32
    %dma_start3A_146 = arith.constant 0 : i32
    %dma_start3A_147 = tpu.memref_slice %arg4[%add3A_145, %dma_start3A_146] : memref<32768x2048xf32, #tpu.memory_space<hbm>> -> memref<1x2048xf32, #tpu.memory_space<hbm>>
    %dma_start3A_148 = arith.constant 0 : i32
    %dma_start3A_149 = tpu.memref_slice %arg6[%squeeze3A_143, %dma_start3A_148] : memref<512x2048xf32, #tpu.memory_space<vmem_shared>> -> memref<1x2048xf32, #tpu.memory_space<vmem_shared>>
    tpu.enqueue_dma source(%dma_start3A_149 : memref<1x2048xf32, #tpu.memory_space<vmem_shared>>) target(%dma_start3A_147 : memref<1x2048xf32, #tpu.memory_space<hbm>>) target_semaphore(%arg7 : memref<!tpu.dma_semaphore, #tpu.memory_space<semaphore_mem>>)
    %slice3A_150 = vector.extract_strided_slice %get3A_38 {offsets = [14], sizes = [1], strides = [1]} : vector<16xi32> to vector<1xi32>
    %squeeze3A_151 = vector.extract %slice3A_150[0] : i32 from vector<1xi32>
    %add3A_152 = arith.constant 14 : i32
    %add3A_153 = arith.addi %add3A_40, %add3A_152 : i32
    %dma_start3A_154 = arith.constant 0 : i32
    %dma_start3A_155 = tpu.memref_slice %arg4[%add3A_153, %dma_start3A_154] : memref<32768x2048xf32, #tpu.memory_space<hbm>> -> memref<1x2048xf32, #tpu.memory_space<hbm>>
    %dma_start3A_156 = arith.constant 0 : i32
    %dma_start3A_157 = tpu.memref_slice %arg6[%squeeze3A_151, %dma_start3A_156] : memref<512x2048xf32, #tpu.memory_space<vmem_shared>> -> memref<1x2048xf32, #tpu.memory_space<vmem_shared>>
    tpu.enqueue_dma source(%dma_start3A_157 : memref<1x2048xf32, #tpu.memory_space<vmem_shared>>) target(%dma_start3A_155 : memref<1x2048xf32, #tpu.memory_space<hbm>>) target_semaphore(%arg7 : memref<!tpu.dma_semaphore, #tpu.memory_space<semaphore_mem>>)
    %slice3A_158 = vector.extract_strided_slice %get3A_38 {offsets = [15], sizes = [1], strides = [1]} : vector<16xi32> to vector<1xi32>
    %squeeze3A_159 = vector.extract %slice3A_158[0] : i32 from vector<1xi32>
    %add3A_160 = arith.constant 15 : i32
    %add3A_161 = arith.addi %add3A_40, %add3A_160 : i32
    %dma_start3A_162 = arith.constant 0 : i32
    %dma_start3A_163 = tpu.memref_slice %arg4[%add3A_161, %dma_start3A_162] : memref<32768x2048xf32, #tpu.memory_space<hbm>> -> memref<1x2048xf32, #tpu.memory_space<hbm>>
    %dma_start3A_164 = arith.constant 0 : i32
    %dma_start3A_165 = tpu.memref_slice %arg6[%squeeze3A_159, %dma_start3A_164] : memref<512x2048xf32, #tpu.memory_space<vmem_shared>> -> memref<1x2048xf32, #tpu.memory_space<vmem_shared>>
    tpu.enqueue_dma source(%dma_start3A_165 : memref<1x2048xf32, #tpu.memory_space<vmem_shared>>) target(%dma_start3A_163 : memref<1x2048xf32, #tpu.memory_space<hbm>>) target_semaphore(%arg7 : memref<!tpu.dma_semaphore, #tpu.memory_space<semaphore_mem>>)
    %get3A_166 = arith.constant 16 : index
    %get3A_167 = tpu.vector_load %arg5[%get3A_166] {strides = array<i32>} : memref<1024xi32, #tpu.memory_space<vmem>>, vector<16xi32>,
    %get3A_168 = vector.shape_cast %get3A_167 : vector<16xi32> to vector<16xi32>
    %add3A_169 = arith.constant 16 : i32
    %add3A_170 = arith.addi %mul3A_2, %add3A_169 : i32
    %slice3A_171 = vector.extract_strided_slice %get3A_168 {offsets = [0], sizes = [1], strides = [1]} : vector<16xi32> to vector<1xi32>
    %squeeze3A_172 = vector.extract %slice3A_171[0] : i32 from vector<1xi32>
    %add3A_173 = arith.constant 0 : i32
    %add3A_174 = arith.addi %add3A_170, %add3A_173 : i32
    %dma_start3A_175 = arith.constant 0 : i32
    %dma_start3A_176 = tpu.memref_slice %arg4[%add3A_174, %dma_start3A_175] : memref<32768x2048xf32, #tpu.memory_space<hbm>> -> memref<1x2048xf32, #tpu.memory_space<hbm>>
    %dma_start3A_177 = arith.constant 0 : i32
    %dma_start3A_178 = tpu.memref_slice %arg6[%squeeze3A_172, %dma_start3A_177] : memref<512x2048xf32, #tpu.memory_space<vmem_shared>> -> memref<1x2048xf32, #tpu.memory_space<vmem_shared>>
    tpu.enqueue_dma source(%dma_start3A_178 : memref<1x2048xf32, #tpu.memory_space<vmem_shared>>) target(%dma_start3A_176 : memref<1x2048xf32, #tpu.memory_space<hbm>>) target_semaphore(%arg7 : memref<!tpu.dma_semaphore, #tpu.memory_space<semaphore_mem>>)
    %slice3A_179 = vector.extract_strided_slice %get3A_168 {offsets = [1], sizes = [1], strides = [1]} : vector<16xi32> to vector<1xi32>
    %squeeze3A_180 = vector.extract %slice3A_179[0] : i32 from vector<1xi32>
    %add3A_181 = arith.constant 1 : i32
    %add3A_182 = arith.addi %add3A_170, %add3A_181 : i32
    %dma_start3A_183 = arith.constant 0 : i32
    %dma_start3A_184 = tpu.memref_slice %arg4[%add3A_182, %dma_start3A_183] : memref<32768x2048xf32, #tpu.memory_space<hbm>> -> memref<1x2048xf32, #tpu.memory_space<hbm>>
    %dma_start3A_185 = arith.constant 0 : i32
    %dma_start3A_186 = tpu.memref_slice %arg6[%squeeze3A_180, %dma_start3A_185] : memref<512x2048xf32, #tpu.memory_space<vmem_shared>> -> memref<1x2048xf32, #tpu.memory_space<vmem_shared>>
    tpu.enqueue_dma source(%dma_start3A_186 : memref<1x2048xf32, #tpu.memory_space<vmem_shared>>) target(%dma_start3A_184 : memref<1x2048xf32, #tpu.memory_space<hbm>>) target_semaphore(%arg7 : memref<!tpu.dma_semaphore, #tpu.memory_space<semaphore_mem>>)
    %slice3A_187 = vector.extract_strided_slice %get3A_168 {offsets = [2], sizes = [1], strides = [1]} : vector<16xi32> to vector<1xi32>
    %squeeze3A_188 = vector.extract %slice3A_187[0] : i32 from vector<1xi32>
    %add3A_189 = arith.constant 2 : i32
    %add3A_190 = arith.addi %add3A_170, %add3A_189 : i32
    %dma_start3A_191 = arith.constant 0 : i32
    %dma_start3A_192 = tpu.memref_slice %arg4[%add3A_190, %dma_start3A_191] : memref<32768x2048xf32, #tpu.memory_space<hbm>> -> memref<1x2048xf32, #tpu.memory_space<hbm>>
    %dma_start3A_193 = arith.constant 0 : i32
    %dma_start3A_194 = tpu.memref_slice %arg6[%squeeze3A_188, %dma_start3A_193] : memref<512x2048xf32, #tpu.memory_space<vmem_shared>> -> memref<1x2048xf32, #tpu.memory_space<vmem_shared>>
    tpu.enqueue_dma source(%dma_start3A_194 : memref<1x2048xf32, #tpu.memory_space<vmem_shared>>) target(%dma_start3A_192 : memref<1x2048xf32, #tpu.memory_space<hbm>>) target_semaphore(%arg7 : memref<!tpu.dma_semaphore, #tpu.memory_space<semaphore_mem>>)
    %slice3A_195 = vector.extract_strided_slice %get3A_168 {offsets = [3], sizes = [1], strides = [1]} : vector<16xi32> to vector<1xi32>
    %squeeze3A_196 = vector.extract %slice3A_195[0] : i32 from vector<1xi32>
    %add3A_197 = arith.constant 3 : i32
    %add3A_198 = arith.addi %add3A_170, %add3A_197 : i32
    %dma_start3A_199 = arith.constant 0 : i32
    %dma_start3A_200 = tpu.memref_slice %arg4[%add3A_198, %dma_start3A_199] : memref<32768x2048xf32, #tpu.memory_space<hbm>> -> memref<1x2048xf32, #tpu.memory_space<hbm>>
    %dma_start3A_201 = arith.constant 0 : i32
    %dma_start3A_202 = tpu.memref_slice %arg6[%squeeze3A_196, %dma_start3A_201] : memref<512x2048xf32, #tpu.memory_space<vmem_shared>> -> memref<1x2048xf32, #tpu.memory_space<vmem_shared>>
    tpu.enqueue_dma source(%dma_start3A_202 : memref<1x2048xf32, #tpu.memory_space<vmem_shared>>) target(%dma_start3A_200 : memref<1x2048xf32, #tpu.memory_space<hbm>>) target_semaphore(%arg7 : memref<!tpu.dma_semaphore, #tpu.memory_space<semaphore_mem>>)
    %slice3A_203 = vector.extract_strided_slice %get3A_168 {offsets = [4], sizes = [1], strides = [1]} : vector<16xi32> to vector<1xi32>
    %squeeze3A_204 = vector.extract %slice3A_203[0] : i32 from vector<1xi32>
    %add3A_205 = arith.constant 4 : i32
    %add3A_206 = arith.addi %add3A_170, %add3A_205 : i32
    %dma_start3A_207 = arith.constant 0 : i32
    %dma_start3A_208 = tpu.memref_slice %arg4[%add3A_206, %dma_start3A_207] : memref<32768x2048xf32, #tpu.memory_space<hbm>> -> memref<1x2048xf32, #tpu.memory_space<hbm>>
    %dma_start3A_209 = arith.constant 0 : i32
    %dma_start3A_210 = tpu.memref_slice %arg6[%squeeze3A_204, %dma_start3A_209] : memref<512x2048xf32, #tpu.memory_space<vmem_shared>> -> memref<1x2048xf32, #tpu.memory_space<vmem_shared>>
    tpu.enqueue_dma source(%dma_start3A_210 : memref<1x2048xf32, #tpu.memory_space<vmem_shared>>) target(%dma_start3A_208 : memref<1x2048xf32, #tpu.memory_space<hbm>>) target_semaphore(%arg7 : memref<!tpu.dma_semaphore, #tpu.memory_space<semaphore_mem>>)
    %slice3A_211 = vector.extract_strided_slice %get3A_168 {offsets = [5], sizes = [1], strides = [1]} : vector<16xi32> to vector<1xi32>
    %squeeze3A_212 = vector.extract %slice3A_211[0] : i32 from vector<1xi32>
    %add3A_213 = arith.constant 5 : i32
    %add3A_214 = arith.addi %add3A_170, %add3A_213 : i32
    %dma_start3A_215 = arith.constant 0 : i32
    %dma_start3A_216 = tpu.memref_slice %arg4[%add3A_214, %dma_start3A_215] : memref<32768x2048xf32, #tpu.memory_space<hbm>> -> memref<1x2048xf32, #tpu.memory_space<hbm>>
    %dma_start3A_217 = arith.constant 0 : i32
    %dma_start3A_218 = tpu.memref_slice %arg6[%squeeze3A_212, %dma_start3A_217] : memref<512x2048xf32, #tpu.memory_space<vmem_shared>> -> memref<1x2048xf32, #tpu.memory_space<vmem_shared>>
    tpu.enqueue_dma source(%dma_start3A_218 : memref<1x2048xf32, #tpu.memory_space<vmem_shared>>) target(%dma_start3A_216 : memref<1x2048xf32, #tpu.memory_space<hbm>>) target_semaphore(%arg7 : memref<!tpu.dma_semaphore, #tpu.memory_space<semaphore_mem>>)
    %slice3A_219 = vector.extract_strided_slice %get3A_168 {offsets = [6], sizes = [1], strides = [1]} : vector<16xi32> to vector<1xi32>
    %squeeze3A_220 = vector.extract %slice3A_219[0] : i32 from vector<1xi32>
    %add3A_221 = arith.constant 6 : i32
    %add3A_222 = arith.addi %add3A_170, %add3A_221 : i32
    %dma_start3A_223 = arith.constant 0 : i32
    %dma_start3A_224 = tpu.memref_slice %arg4[%add3A_222, %dma_start3A_223] : memref<32768x2048xf32, #tpu.memory_space<hbm>> -> memref<1x2048xf32, #tpu.memory_space<hbm>>
    %dma_start3A_225 = arith.constant 0 : i32
    %dma_start3A_226 = tpu.memref_slice %arg6[%squeeze3A_220, %dma_start3A_225] : memref<512x2048xf32, #tpu.memory_space<vmem_shared>> -> memref<1x2048xf32, #tpu.memory_space<vmem_shared>>
    tpu.enqueue_dma source(%dma_start3A_226 : memref<1x2048xf32, #tpu.memory_space<vmem_shared>>) target(%dma_start3A_224 : memref<1x2048xf32, #tpu.memory_space<hbm>>) target_semaphore(%arg7 : memref<!tpu.dma_semaphore, #tpu.memory_space<semaphore_mem>>)
    %slice3A_227 = vector.extract_strided_slice %get3A_168 {offsets = [7], sizes = [1], strides = [1]} : vector<16xi32> to vector<1xi32>
    %squeeze3A_228 = vector.extract %slice3A_227[0] : i32 from vector<1xi32>
    %add3A_229 = arith.constant 7 : i32
    %add3A_230 = arith.addi %add3A_170, %add3A_229 : i32
    %dma_start3A_231 = arith.constant 0 : i32
    %dma_start3A_232 = tpu.memref_slice %arg4[%add3A_230, %dma_start3A_231] : memref<32768x2048xf32, #tpu.memory_space<hbm>> -> memref<1x2048xf32, #tpu.memory_space<hbm>>
    %dma_start3A_233 = arith.constant 0 : i32
    %dma_start3A_234 = tpu.memref_slice %arg6[%squeeze3A_228, %dma_start3A_233] : memref<512x2048xf32, #tpu.memory_space<vmem_shared>> -> memref<1x2048xf32, #tpu.memory_space<vmem_shared>>
    tpu.enqueue_dma source(%dma_start3A_234 : memref<1x2048xf32, #tpu.memory_space<vmem_shared>>) target(%dma_start3A_232 : memref<1x2048xf32, #tpu.memory_space<hbm>>) target_semaphore(%arg7 : memref<!tpu.dma_semaphore, #tpu.memory_space<semaphore_mem>>)
    %slice3A_235 = vector.extract_strided_slice %get3A_168 {offsets = [8], sizes = [1], strides = [1]} : vector<16xi32> to vector<1xi32>
    %squeeze3A_236 = vector.extract %slice3A_235[0] : i32 from vector<1xi32>
    %add3A_237 = arith.constant 8 : i32
    %add3A_238 = arith.addi %add3A_170, %add3A_237 : i32
    %dma_start3A_239 = arith.constant 0 : i32
    %dma_start3A_240 = tpu.memref_slice %arg4[%add3A_238, %dma_start3A_239] : memref<32768x2048xf32, #tpu.memory_space<hbm>> -> memref<1x2048xf32, #tpu.memory_space<hbm>>
    %dma_start3A_241 = arith.constant 0 : i32
    %dma_start3A_242 = tpu.memref_slice %arg6[%squeeze3A_236, %dma_start3A_241] : memref<512x2048xf32, #tpu.memory_space<vmem_shared>> -> memref<1x2048xf32, #tpu.memory_space<vmem_shared>>
    tpu.enqueue_dma source(%dma_start3A_242 : memref<1x2048xf32, #tpu.memory_space<vmem_shared>>) target(%dma_start3A_240 : memref<1x2048xf32, #tpu.memory_space<hbm>>) target_semaphore(%arg7 : memref<!tpu.dma_semaphore, #tpu.memory_space<semaphore_mem>>)
    %slice3A_243 = vector.extract_strided_slice %get3A_168 {offsets = [9], sizes = [1], strides = [1]} : vector<16xi32> to vector<1xi32>
    %squeeze3A_244 = vector.extract %slice3A_243[0] : i32 from vector<1xi32>
    %add3A_245 = arith.constant 9 : i32
    %add3A_246 = arith.addi %add3A_170, %add3A_245 : i32
    %dma_start3A_247 = arith.constant 0 : i32
    %dma_start3A_248 = tpu.memref_slice %arg4[%add3A_246, %dma_start3A_247] : memref<32768x2048xf32, #tpu.memory_space<hbm>> -> memref<1x2048xf32, #tpu.memory_space<hbm>>
    %dma_start3A_249 = arith.constant 0 : i32
    %dma_start3A_250 = tpu.memref_slice %arg6[%squeeze3A_244, %dma_start3A_249] : memref<512x2048xf32, #tpu.memory_space<vmem_shared>> -> memref<1x2048xf32, #tpu.memory_space<vmem_shared>>
    tpu.enqueue_dma source(%dma_start3A_250 : memref<1x2048xf32, #tpu.memory_space<vmem_shared>>) target(%dma_start3A_248 : memref<1x2048xf32, #tpu.memory_space<hbm>>) target_semaphore(%arg7 : memref<!tpu.dma_semaphore, #tpu.memory_space<semaphore_mem>>)
    %slice3A_251 = vector.extract_strided_slice %get3A_168 {offsets = [10], sizes = [1], strides = [1]} : vector<16xi32> to vector<1xi32>
    %squeeze3A_252 = vector.extract %slice3A_251[0] : i32 from vector<1xi32>
    %add3A_253 = arith.constant 10 : i32
    %add3A_254 = arith.addi %add3A_170, %add3A_253 : i32
    %dma_start3A_255 = arith.constant 0 : i32
    %dma_start3A_256 = tpu.memref_slice %arg4[%add3A_254, %dma_start3A_255] : memref<32768x2048xf32, #tpu.memory_space<hbm>> -> memref<1x2048xf32, #tpu.memory_space<hbm>>
    %dma_start3A_257 = arith.constant 0 : i32
    %dma_start3A_258 = tpu.memref_slice %arg6[%squeeze3A_252, %dma_start3A_257] : memref<512x2048xf32, #tpu.memory_space<vmem_shared>> -> memref<1x2048xf32, #tpu.memory_space<vmem_shared>>
    tpu.enqueue_dma source(%dma_start3A_258 : memref<1x2048xf32, #tpu.memory_space<vmem_shared>>) target(%dma_start3A_256 : memref<1x2048xf32, #tpu.memory_space<hbm>>) target_semaphore(%arg7 : memref<!tpu.dma_semaphore, #tpu.memory_space<semaphore_mem>>)
    %slice3A_259 = vector.extract_strided_slice %get3A_168 {offsets = [11], sizes = [1], strides = [1]} : vector<16xi32> to vector<1xi32>
    %squeeze3A_260 = vector.extract %slice3A_259[0] : i32 from vector<1xi32>
    %add3A_261 = arith.constant 11 : i32
    %add3A_262 = arith.addi %add3A_170, %add3A_261 : i32
    %dma_start3A_263 = arith.constant 0 : i32
    %dma_start3A_264 = tpu.memref_slice %arg4[%add3A_262, %dma_start3A_263] : memref<32768x2048xf32, #tpu.memory_space<hbm>> -> memref<1x2048xf32, #tpu.memory_space<hbm>>
    %dma_start3A_265 = arith.constant 0 : i32
    %dma_start3A_266 = tpu.memref_slice %arg6[%squeeze3A_260, %dma_start3A_265] : memref<512x2048xf32, #tpu.memory_space<vmem_shared>> -> memref<1x2048xf32, #tpu.memory_space<vmem_shared>>
    tpu.enqueue_dma source(%dma_start3A_266 : memref<1x2048xf32, #tpu.memory_space<vmem_shared>>) target(%dma_start3A_264 : memref<1x2048xf32, #tpu.memory_space<hbm>>) target_semaphore(%arg7 : memref<!tpu.dma_semaphore, #tpu.memory_space<semaphore_mem>>)
    %slice3A_267 = vector.extract_strided_slice %get3A_168 {offsets = [12], sizes = [1], strides = [1]} : vector<16xi32> to vector<1xi32>
    %squeeze3A_268 = vector.extract %slice3A_267[0] : i32 from vector<1xi32>
    %add3A_269 = arith.constant 12 : i32
    %add3A_270 = arith.addi %add3A_170, %add3A_269 : i32
    %dma_start3A_271 = arith.constant 0 : i32
    %dma_start3A_272 = tpu.memref_slice %arg4[%add3A_270, %dma_start3A_271] : memref<32768x2048xf32, #tpu.memory_space<hbm>> -> memref<1x2048xf32, #tpu.memory_space<hbm>>
    %dma_start3A_273 = arith.constant 0 : i32
    %dma_start3A_274 = tpu.memref_slice %arg6[%squeeze3A_268, %dma_start3A_273] : memref<512x2048xf32, #tpu.memory_space<vmem_shared>> -> memref<1x2048xf32, #tpu.memory_space<vmem_shared>>
    tpu.enqueue_dma source(%dma_start3A_274 : memref<1x2048xf32, #tpu.memory_space<vmem_shared>>) target(%dma_start3A_272 : memref<1x2048xf32, #tpu.memory_space<hbm>>) target_semaphore(%arg7 : memref<!tpu.dma_semaphore, #tpu.memory_space<semaphore_mem>>)
    %slice3A_275 = vector.extract_strided_slice %get3A_168 {offsets = [13], sizes = [1], strides = [1]} : vector<16xi32> to vector<1xi32>
    %squeeze3A_276 = vector.extract %slice3A_275[0] : i32 from vector<1xi32>
    %add3A_277 = arith.constant 13 : i32
    %add3A_278 = arith.addi %add3A_170, %add3A_277 : i32
    %dma_start3A_279 = arith.constant 0 : i32
    %dma_start3A_280 = tpu.memref_slice %arg4[%add3A_278, %dma_start3A_279] : memref<32768x2048xf32, #tpu.memory_space<hbm>> -> memref<1x2048xf32, #tpu.memory_space<hbm>>
    %dma_start3A_281 = arith.constant 0 : i32
    %dma_start3A_282 = tpu.memref_slice %arg6[%squeeze3A_276, %dma_start3A_281] : memref<512x2048xf32, #tpu.memory_space<vmem_shared>> -> memref<1x2048xf32, #tpu.memory_space<vmem_shared>>
    tpu.enqueue_dma source(%dma_start3A_282 : memref<1x2048xf32, #tpu.memory_space<vmem_shared>>) target(%dma_start3A_280 : memref<1x2048xf32, #tpu.memory_space<hbm>>) target_semaphore(%arg7 : memref<!tpu.dma_semaphore, #tpu.memory_space<semaphore_mem>>)
    %slice3A_283 = vector.extract_strided_slice %get3A_168 {offsets = [14], sizes = [1], strides = [1]} : vector<16xi32> to vector<1xi32>
    %squeeze3A_284 = vector.extract %slice3A_283[0] : i32 from vector<1xi32>
    %add3A_285 = arith.constant 14 : i32
    %add3A_286 = arith.addi %add3A_170, %add3A_285 : i32
    %dma_start3A_287 = arith.constant 0 : i32
    %dma_start3A_288 = tpu.memref_slice %arg4[%add3A_286, %dma_start3A_287] : memref<32768x2048xf32, #tpu.memory_space<hbm>> -> memref<1x2048xf32, #tpu.memory_space<hbm>>
    %dma_start3A_289 = arith.constant 0 : i32
    %dma_start3A_290 = tpu.memref_slice %arg6[%squeeze3A_284, %dma_start3A_289] : memref<512x2048xf32, #tpu.memory_space<vmem_shared>> -> memref<1x2048xf32, #tpu.memory_space<vmem_shared>>
    tpu.enqueue_dma source(%dma_start3A_290 : memref<1x2048xf32, #tpu.memory_space<vmem_shared>>) target(%dma_start3A_288 : memref<1x2048xf32, #tpu.memory_space<hbm>>) target_semaphore(%arg7 : memref<!tpu.dma_semaphore, #tpu.memory_space<semaphore_mem>>)
    %slice3A_291 = vector.extract_strided_slice %get3A_168 {offsets = [15], sizes = [1], strides = [1]} : vector<16xi32> to vector<1xi32>
    %squeeze3A_292 = vector.extract %slice3A_291[0] : i32 from vector<1xi32>
    %add3A_293 = arith.constant 15 : i32
    %add3A_294 = arith.addi %add3A_170, %add3A_293 : i32
    %dma_start3A_295 = arith.constant 0 : i32
    %dma_start3A_296 = tpu.memref_slice %arg4[%add3A_294, %dma_start3A_295] : memref<32768x2048xf32, #tpu.memory_space<hbm>> -> memref<1x2048xf32, #tpu.memory_space<hbm>>
    %dma_start3A_297 = arith.constant 0 : i32
    %dma_start3A_298 = tpu.memref_slice %arg6[%squeeze3A_292, %dma_start3A_297] : memref<512x2048xf32, #tpu.memory_space<vmem_shared>> -> memref<1x2048xf32, #tpu.memory_space<vmem_shared>>
    tpu.enqueue_dma source(%dma_start3A_298 : memref<1x2048xf32, #tpu.memory_space<vmem_shared>>) target(%dma_start3A_296 : memref<1x2048xf32, #tpu.memory_space<hbm>>) target_semaphore(%arg7 : memref<!tpu.dma_semaphore, #tpu.memory_space<semaphore_mem>>)
    %scan3A = arith.constant 0 : i32
    %scan3A_299 = arith.constant 0 : i32
    %scan3A_300 = arith.constant 64 : i32
    %scan3A_301 = arith.addi %scan3A_299, %scan3A_300 : i32
    %scan3A_302 = arith.constant 1 : i32
    %scan3A_303 = scf.for %scan3A_305 = %scan3A_299 to %scan3A_301 step %scan3A_302 iter_args(%scan3A_306 = %scan3A) -> (i32)  : i32 {
      %add3A_307 = arith.constant 2 : i32
      %add3A_308 = arith.addi %scan3A_305, %add3A_307 : i32
      %lt3A_309 = arith.constant 64 : i32
      %lt3A_310 = arith.cmpi slt, %add3A_308, %lt3A_309 : i32
      %convert_element_type3A = arith.extui %lt3A_310 : i1 to i32
      %cond3A = arith.constant 0 : i32
      %cond3A_311 = arith.cmpi ne, %convert_element_type3A, %cond3A : i32
      scf.if %cond3A_311 {
        %add3A_317 = arith.constant 2 : i32
        %add3A_318 = arith.addi %scan3A_305, %add3A_317 : i32
        %mul3A_319 = arith.constant 16 : i32
        %mul3A_320 = arith.muli %add3A_318, %mul3A_319 : i32
        %get3A_321 = arith.index_cast %mul3A_320 : i32 to index
        %get3A_322 = tpu.vector_load %arg5[%get3A_321] {strides = array<i32>} : memref<1024xi32, #tpu.memory_space<vmem>>, vector<16xi32>,
        %get3A_323 = vector.shape_cast %get3A_322 : vector<16xi32> to vector<16xi32>
        %mul3A_324 = arith.constant 16 : i32
        %mul3A_325 = arith.muli %add3A_318, %mul3A_324 : i32
        %add3A_326 = arith.addi %mul3A_2, %mul3A_325 : i32
        %slice3A_327 = vector.extract_strided_slice %get3A_323 {offsets = [0], sizes = [1], strides = [1]} : vector<16xi32> to vector<1xi32>
        %squeeze3A_328 = vector.extract %slice3A_327[0] : i32 from vector<1xi32>
        %add3A_329 = arith.constant 0 : i32
        %add3A_330 = arith.addi %add3A_326, %add3A_329 : i32
        %dma_start3A_331 = arith.constant 0 : i32
        %dma_start3A_332 = tpu.memref_slice %arg4[%add3A_330, %dma_start3A_331] : memref<32768x2048xf32, #tpu.memory_space<hbm>> -> memref<1x2048xf32, #tpu.memory_space<hbm>>
        %dma_start3A_333 = arith.constant 0 : i32
        %dma_start3A_334 = tpu.memref_slice %arg6[%squeeze3A_328, %dma_start3A_333] : memref<512x2048xf32, #tpu.memory_space<vmem_shared>> -> memref<1x2048xf32, #tpu.memory_space<vmem_shared>>
        tpu.enqueue_dma source(%dma_start3A_334 : memref<1x2048xf32, #tpu.memory_space<vmem_shared>>) target(%dma_start3A_332 : memref<1x2048xf32, #tpu.memory_space<hbm>>) target_semaphore(%arg7 : memref<!tpu.dma_semaphore, #tpu.memory_space<semaphore_mem>>)
        %slice3A_335 = vector.extract_strided_slice %get3A_323 {offsets = [1], sizes = [1], strides = [1]} : vector<16xi32> to vector<1xi32>
        %squeeze3A_336 = vector.extract %slice3A_335[0] : i32 from vector<1xi32>
        %add3A_337 = arith.constant 1 : i32
        %add3A_338 = arith.addi %add3A_326, %add3A_337 : i32
        %dma_start3A_339 = arith.constant 0 : i32
        %dma_start3A_340 = tpu.memref_slice %arg4[%add3A_338, %dma_start3A_339] : memref<32768x2048xf32, #tpu.memory_space<hbm>> -> memref<1x2048xf32, #tpu.memory_space<hbm>>
        %dma_start3A_341 = arith.constant 0 : i32
        %dma_start3A_342 = tpu.memref_slice %arg6[%squeeze3A_336, %dma_start3A_341] : memref<512x2048xf32, #tpu.memory_space<vmem_shared>> -> memref<1x2048xf32, #tpu.memory_space<vmem_shared>>
        tpu.enqueue_dma source(%dma_start3A_342 : memref<1x2048xf32, #tpu.memory_space<vmem_shared>>) target(%dma_start3A_340 : memref<1x2048xf32, #tpu.memory_space<hbm>>) target_semaphore(%arg7 : memref<!tpu.dma_semaphore, #tpu.memory_space<semaphore_mem>>)
        %slice3A_343 = vector.extract_strided_slice %get3A_323 {offsets = [2], sizes = [1], strides = [1]} : vector<16xi32> to vector<1xi32>
        %squeeze3A_344 = vector.extract %slice3A_343[0] : i32 from vector<1xi32>
        %add3A_345 = arith.constant 2 : i32
        %add3A_346 = arith.addi %add3A_326, %add3A_345 : i32
        %dma_start3A_347 = arith.constant 0 : i32
        %dma_start3A_348 = tpu.memref_slice %arg4[%add3A_346, %dma_start3A_347] : memref<32768x2048xf32, #tpu.memory_space<hbm>> -> memref<1x2048xf32, #tpu.memory_space<hbm>>
        %dma_start3A_349 = arith.constant 0 : i32
        %dma_start3A_350 = tpu.memref_slice %arg6[%squeeze3A_344, %dma_start3A_349] : memref<512x2048xf32, #tpu.memory_space<vmem_shared>> -> memref<1x2048xf32, #tpu.memory_space<vmem_shared>>
        tpu.enqueue_dma source(%dma_start3A_350 : memref<1x2048xf32, #tpu.memory_space<vmem_shared>>) target(%dma_start3A_348 : memref<1x2048xf32, #tpu.memory_space<hbm>>) target_semaphore(%arg7 : memref<!tpu.dma_semaphore, #tpu.memory_space<semaphore_mem>>)
        %slice3A_351 = vector.extract_strided_slice %get3A_323 {offsets = [3], sizes = [1], strides = [1]} : vector<16xi32> to vector<1xi32>
        %squeeze3A_352 = vector.extract %slice3A_351[0] : i32 from vector<1xi32>
        %add3A_353 = arith.constant 3 : i32
        %add3A_354 = arith.addi %add3A_326, %add3A_353 : i32
        %dma_start3A_355 = arith.constant 0 : i32
        %dma_start3A_356 = tpu.memref_slice %arg4[%add3A_354, %dma_start3A_355] : memref<32768x2048xf32, #tpu.memory_space<hbm>> -> memref<1x2048xf32, #tpu.memory_space<hbm>>
        %dma_start3A_357 = arith.constant 0 : i32
        %dma_start3A_358 = tpu.memref_slice %arg6[%squeeze3A_352, %dma_start3A_357] : memref<512x2048xf32, #tpu.memory_space<vmem_shared>> -> memref<1x2048xf32, #tpu.memory_space<vmem_shared>>
        tpu.enqueue_dma source(%dma_start3A_358 : memref<1x2048xf32, #tpu.memory_space<vmem_shared>>) target(%dma_start3A_356 : memref<1x2048xf32, #tpu.memory_space<hbm>>) target_semaphore(%arg7 : memref<!tpu.dma_semaphore, #tpu.memory_space<semaphore_mem>>)
        %slice3A_359 = vector.extract_strided_slice %get3A_323 {offsets = [4], sizes = [1], strides = [1]} : vector<16xi32> to vector<1xi32>
        %squeeze3A_360 = vector.extract %slice3A_359[0] : i32 from vector<1xi32>
        %add3A_361 = arith.constant 4 : i32
        %add3A_362 = arith.addi %add3A_326, %add3A_361 : i32
        %dma_start3A_363 = arith.constant 0 : i32
        %dma_start3A_364 = tpu.memref_slice %arg4[%add3A_362, %dma_start3A_363] : memref<32768x2048xf32, #tpu.memory_space<hbm>> -> memref<1x2048xf32, #tpu.memory_space<hbm>>
        %dma_start3A_365 = arith.constant 0 : i32
        %dma_start3A_366 = tpu.memref_slice %arg6[%squeeze3A_360, %dma_start3A_365] : memref<512x2048xf32, #tpu.memory_space<vmem_shared>> -> memref<1x2048xf32, #tpu.memory_space<vmem_shared>>
        tpu.enqueue_dma source(%dma_start3A_366 : memref<1x2048xf32, #tpu.memory_space<vmem_shared>>) target(%dma_start3A_364 : memref<1x2048xf32, #tpu.memory_space<hbm>>) target_semaphore(%arg7 : memref<!tpu.dma_semaphore, #tpu.memory_space<semaphore_mem>>)
        %slice3A_367 = vector.extract_strided_slice %get3A_323 {offsets = [5], sizes = [1], strides = [1]} : vector<16xi32> to vector<1xi32>
        %squeeze3A_368 = vector.extract %slice3A_367[0] : i32 from vector<1xi32>
        %add3A_369 = arith.constant 5 : i32
        %add3A_370 = arith.addi %add3A_326, %add3A_369 : i32
        %dma_start3A_371 = arith.constant 0 : i32
        %dma_start3A_372 = tpu.memref_slice %arg4[%add3A_370, %dma_start3A_371] : memref<32768x2048xf32, #tpu.memory_space<hbm>> -> memref<1x2048xf32, #tpu.memory_space<hbm>>
        %dma_start3A_373 = arith.constant 0 : i32
        %dma_start3A_374 = tpu.memref_slice %arg6[%squeeze3A_368, %dma_start3A_373] : memref<512x2048xf32, #tpu.memory_space<vmem_shared>> -> memref<1x2048xf32, #tpu.memory_space<vmem_shared>>
        tpu.enqueue_dma source(%dma_start3A_374 : memref<1x2048xf32, #tpu.memory_space<vmem_shared>>) target(%dma_start3A_372 : memref<1x2048xf32, #tpu.memory_space<hbm>>) target_semaphore(%arg7 : memref<!tpu.dma_semaphore, #tpu.memory_space<semaphore_mem>>)
        %slice3A_375 = vector.extract_strided_slice %get3A_323 {offsets = [6], sizes = [1], strides = [1]} : vector<16xi32> to vector<1xi32>
        %squeeze3A_376 = vector.extract %slice3A_375[0] : i32 from vector<1xi32>
        %add3A_377 = arith.constant 6 : i32
        %add3A_378 = arith.addi %add3A_326, %add3A_377 : i32
        %dma_start3A_379 = arith.constant 0 : i32
        %dma_start3A_380 = tpu.memref_slice %arg4[%add3A_378, %dma_start3A_379] : memref<32768x2048xf32, #tpu.memory_space<hbm>> -> memref<1x2048xf32, #tpu.memory_space<hbm>>
        %dma_start3A_381 = arith.constant 0 : i32
        %dma_start3A_382 = tpu.memref_slice %arg6[%squeeze3A_376, %dma_start3A_381] : memref<512x2048xf32, #tpu.memory_space<vmem_shared>> -> memref<1x2048xf32, #tpu.memory_space<vmem_shared>>
        tpu.enqueue_dma source(%dma_start3A_382 : memref<1x2048xf32, #tpu.memory_space<vmem_shared>>) target(%dma_start3A_380 : memref<1x2048xf32, #tpu.memory_space<hbm>>) target_semaphore(%arg7 : memref<!tpu.dma_semaphore, #tpu.memory_space<semaphore_mem>>)
        %slice3A_383 = vector.extract_strided_slice %get3A_323 {offsets = [7], sizes = [1], strides = [1]} : vector<16xi32> to vector<1xi32>
        %squeeze3A_384 = vector.extract %slice3A_383[0] : i32 from vector<1xi32>
        %add3A_385 = arith.constant 7 : i32
        %add3A_386 = arith.addi %add3A_326, %add3A_385 : i32
        %dma_start3A_387 = arith.constant 0 : i32
        %dma_start3A_388 = tpu.memref_slice %arg4[%add3A_386, %dma_start3A_387] : memref<32768x2048xf32, #tpu.memory_space<hbm>> -> memref<1x2048xf32, #tpu.memory_space<hbm>>
        %dma_start3A_389 = arith.constant 0 : i32
        %dma_start3A_390 = tpu.memref_slice %arg6[%squeeze3A_384, %dma_start3A_389] : memref<512x2048xf32, #tpu.memory_space<vmem_shared>> -> memref<1x2048xf32, #tpu.memory_space<vmem_shared>>
        tpu.enqueue_dma source(%dma_start3A_390 : memref<1x2048xf32, #tpu.memory_space<vmem_shared>>) target(%dma_start3A_388 : memref<1x2048xf32, #tpu.memory_space<hbm>>) target_semaphore(%arg7 : memref<!tpu.dma_semaphore, #tpu.memory_space<semaphore_mem>>)
        %slice3A_391 = vector.extract_strided_slice %get3A_323 {offsets = [8], sizes = [1], strides = [1]} : vector<16xi32> to vector<1xi32>
        %squeeze3A_392 = vector.extract %slice3A_391[0] : i32 from vector<1xi32>
        %add3A_393 = arith.constant 8 : i32
        %add3A_394 = arith.addi %add3A_326, %add3A_393 : i32
        %dma_start3A_395 = arith.constant 0 : i32
        %dma_start3A_396 = tpu.memref_slice %arg4[%add3A_394, %dma_start3A_395] : memref<32768x2048xf32, #tpu.memory_space<hbm>> -> memref<1x2048xf32, #tpu.memory_space<hbm>>
        %dma_start3A_397 = arith.constant 0 : i32
        %dma_start3A_398 = tpu.memref_slice %arg6[%squeeze3A_392, %dma_start3A_397] : memref<512x2048xf32, #tpu.memory_space<vmem_shared>> -> memref<1x2048xf32, #tpu.memory_space<vmem_shared>>
        tpu.enqueue_dma source(%dma_start3A_398 : memref<1x2048xf32, #tpu.memory_space<vmem_shared>>) target(%dma_start3A_396 : memref<1x2048xf32, #tpu.memory_space<hbm>>) target_semaphore(%arg7 : memref<!tpu.dma_semaphore, #tpu.memory_space<semaphore_mem>>)
        %slice3A_399 = vector.extract_strided_slice %get3A_323 {offsets = [9], sizes = [1], strides = [1]} : vector<16xi32> to vector<1xi32>
        %squeeze3A_400 = vector.extract %slice3A_399[0] : i32 from vector<1xi32>
        %add3A_401 = arith.constant 9 : i32
        %add3A_402 = arith.addi %add3A_326, %add3A_401 : i32
        %dma_start3A_403 = arith.constant 0 : i32
        %dma_start3A_404 = tpu.memref_slice %arg4[%add3A_402, %dma_start3A_403] : memref<32768x2048xf32, #tpu.memory_space<hbm>> -> memref<1x2048xf32, #tpu.memory_space<hbm>>
        %dma_start3A_405 = arith.constant 0 : i32
        %dma_start3A_406 = tpu.memref_slice %arg6[%squeeze3A_400, %dma_start3A_405] : memref<512x2048xf32, #tpu.memory_space<vmem_shared>> -> memref<1x2048xf32, #tpu.memory_space<vmem_shared>>
        tpu.enqueue_dma source(%dma_start3A_406 : memref<1x2048xf32, #tpu.memory_space<vmem_shared>>) target(%dma_start3A_404 : memref<1x2048xf32, #tpu.memory_space<hbm>>) target_semaphore(%arg7 : memref<!tpu.dma_semaphore, #tpu.memory_space<semaphore_mem>>)
        %slice3A_407 = vector.extract_strided_slice %get3A_323 {offsets = [10], sizes = [1], strides = [1]} : vector<16xi32> to vector<1xi32>
        %squeeze3A_408 = vector.extract %slice3A_407[0] : i32 from vector<1xi32>
        %add3A_409 = arith.constant 10 : i32
        %add3A_410 = arith.addi %add3A_326, %add3A_409 : i32
        %dma_start3A_411 = arith.constant 0 : i32
        %dma_start3A_412 = tpu.memref_slice %arg4[%add3A_410, %dma_start3A_411] : memref<32768x2048xf32, #tpu.memory_space<hbm>> -> memref<1x2048xf32, #tpu.memory_space<hbm>>
        %dma_start3A_413 = arith.constant 0 : i32
        %dma_start3A_414 = tpu.memref_slice %arg6[%squeeze3A_408, %dma_start3A_413] : memref<512x2048xf32, #tpu.memory_space<vmem_shared>> -> memref<1x2048xf32, #tpu.memory_space<vmem_shared>>
        tpu.enqueue_dma source(%dma_start3A_414 : memref<1x2048xf32, #tpu.memory_space<vmem_shared>>) target(%dma_start3A_412 : memref<1x2048xf32, #tpu.memory_space<hbm>>) target_semaphore(%arg7 : memref<!tpu.dma_semaphore, #tpu.memory_space<semaphore_mem>>)
        %slice3A_415 = vector.extract_strided_slice %get3A_323 {offsets = [11], sizes = [1], strides = [1]} : vector<16xi32> to vector<1xi32>
        %squeeze3A_416 = vector.extract %slice3A_415[0] : i32 from vector<1xi32>
        %add3A_417 = arith.constant 11 : i32
        %add3A_418 = arith.addi %add3A_326, %add3A_417 : i32
        %dma_start3A_419 = arith.constant 0 : i32
        %dma_start3A_420 = tpu.memref_slice %arg4[%add3A_418, %dma_start3A_419] : memref<32768x2048xf32, #tpu.memory_space<hbm>> -> memref<1x2048xf32, #tpu.memory_space<hbm>>
        %dma_start3A_421 = arith.constant 0 : i32
        %dma_start3A_422 = tpu.memref_slice %arg6[%squeeze3A_416, %dma_start3A_421] : memref<512x2048xf32, #tpu.memory_space<vmem_shared>> -> memref<1x2048xf32, #tpu.memory_space<vmem_shared>>
        tpu.enqueue_dma source(%dma_start3A_422 : memref<1x2048xf32, #tpu.memory_space<vmem_shared>>) target(%dma_start3A_420 : memref<1x2048xf32, #tpu.memory_space<hbm>>) target_semaphore(%arg7 : memref<!tpu.dma_semaphore, #tpu.memory_space<semaphore_mem>>)
        %slice3A_423 = vector.extract_strided_slice %get3A_323 {offsets = [12], sizes = [1], strides = [1]} : vector<16xi32> to vector<1xi32>
        %squeeze3A_424 = vector.extract %slice3A_423[0] : i32 from vector<1xi32>
        %add3A_425 = arith.constant 12 : i32
        %add3A_426 = arith.addi %add3A_326, %add3A_425 : i32
        %dma_start3A_427 = arith.constant 0 : i32
        %dma_start3A_428 = tpu.memref_slice %arg4[%add3A_426, %dma_start3A_427] : memref<32768x2048xf32, #tpu.memory_space<hbm>> -> memref<1x2048xf32, #tpu.memory_space<hbm>>
        %dma_start3A_429 = arith.constant 0 : i32
        %dma_start3A_430 = tpu.memref_slice %arg6[%squeeze3A_424, %dma_start3A_429] : memref<512x2048xf32, #tpu.memory_space<vmem_shared>> -> memref<1x2048xf32, #tpu.memory_space<vmem_shared>>
        tpu.enqueue_dma source(%dma_start3A_430 : memref<1x2048xf32, #tpu.memory_space<vmem_shared>>) target(%dma_start3A_428 : memref<1x2048xf32, #tpu.memory_space<hbm>>) target_semaphore(%arg7 : memref<!tpu.dma_semaphore, #tpu.memory_space<semaphore_mem>>)
        %slice3A_431 = vector.extract_strided_slice %get3A_323 {offsets = [13], sizes = [1], strides = [1]} : vector<16xi32> to vector<1xi32>
        %squeeze3A_432 = vector.extract %slice3A_431[0] : i32 from vector<1xi32>
        %add3A_433 = arith.constant 13 : i32
        %add3A_434 = arith.addi %add3A_326, %add3A_433 : i32
        %dma_start3A_435 = arith.constant 0 : i32
        %dma_start3A_436 = tpu.memref_slice %arg4[%add3A_434, %dma_start3A_435] : memref<32768x2048xf32, #tpu.memory_space<hbm>> -> memref<1x2048xf32, #tpu.memory_space<hbm>>
        %dma_start3A_437 = arith.constant 0 : i32
        %dma_start3A_438 = tpu.memref_slice %arg6[%squeeze3A_432, %dma_start3A_437] : memref<512x2048xf32, #tpu.memory_space<vmem_shared>> -> memref<1x2048xf32, #tpu.memory_space<vmem_shared>>
        tpu.enqueue_dma source(%dma_start3A_438 : memref<1x2048xf32, #tpu.memory_space<vmem_shared>>) target(%dma_start3A_436 : memref<1x2048xf32, #tpu.memory_space<hbm>>) target_semaphore(%arg7 : memref<!tpu.dma_semaphore, #tpu.memory_space<semaphore_mem>>)
        %slice3A_439 = vector.extract_strided_slice %get3A_323 {offsets = [14], sizes = [1], strides = [1]} : vector<16xi32> to vector<1xi32>
        %squeeze3A_440 = vector.extract %slice3A_439[0] : i32 from vector<1xi32>
        %add3A_441 = arith.constant 14 : i32
        %add3A_442 = arith.addi %add3A_326, %add3A_441 : i32
        %dma_start3A_443 = arith.constant 0 : i32
        %dma_start3A_444 = tpu.memref_slice %arg4[%add3A_442, %dma_start3A_443] : memref<32768x2048xf32, #tpu.memory_space<hbm>> -> memref<1x2048xf32, #tpu.memory_space<hbm>>
        %dma_start3A_445 = arith.constant 0 : i32
        %dma_start3A_446 = tpu.memref_slice %arg6[%squeeze3A_440, %dma_start3A_445] : memref<512x2048xf32, #tpu.memory_space<vmem_shared>> -> memref<1x2048xf32, #tpu.memory_space<vmem_shared>>
        tpu.enqueue_dma source(%dma_start3A_446 : memref<1x2048xf32, #tpu.memory_space<vmem_shared>>) target(%dma_start3A_444 : memref<1x2048xf32, #tpu.memory_space<hbm>>) target_semaphore(%arg7 : memref<!tpu.dma_semaphore, #tpu.memory_space<semaphore_mem>>)
        %slice3A_447 = vector.extract_strided_slice %get3A_323 {offsets = [15], sizes = [1], strides = [1]} : vector<16xi32> to vector<1xi32>
        %squeeze3A_448 = vector.extract %slice3A_447[0] : i32 from vector<1xi32>
        %add3A_449 = arith.constant 15 : i32
        %add3A_450 = arith.addi %add3A_326, %add3A_449 : i32
        %dma_start3A_451 = arith.constant 0 : i32
        %dma_start3A_452 = tpu.memref_slice %arg4[%add3A_450, %dma_start3A_451] : memref<32768x2048xf32, #tpu.memory_space<hbm>> -> memref<1x2048xf32, #tpu.memory_space<hbm>>
        %dma_start3A_453 = arith.constant 0 : i32
        %dma_start3A_454 = tpu.memref_slice %arg6[%squeeze3A_448, %dma_start3A_453] : memref<512x2048xf32, #tpu.memory_space<vmem_shared>> -> memref<1x2048xf32, #tpu.memory_space<vmem_shared>>
        tpu.enqueue_dma source(%dma_start3A_454 : memref<1x2048xf32, #tpu.memory_space<vmem_shared>>) target(%dma_start3A_452 : memref<1x2048xf32, #tpu.memory_space<hbm>>) target_semaphore(%arg7 : memref<!tpu.dma_semaphore, #tpu.memory_space<semaphore_mem>>)
      } else {
      }
      %dma_wait3A = arith.constant 0 : i32
      %dma_wait3A_312 = tpu.memref_slice %arg4[%mul3A_2, %dma_wait3A] : memref<32768x2048xf32, #tpu.memory_space<hbm>> -> memref<16x2048xf32, #tpu.memory_space<hbm>>
      %dma_wait3A_313 = arith.constant 0 : i32
      %dma_wait3A_314 = arith.constant 0 : i32
      %dma_wait3A_315 = tpu.memref_slice %arg6[%dma_wait3A_313, %dma_wait3A_314] : memref<512x2048xf32, #tpu.memory_space<vmem_shared>> -> memref<16x2048xf32, #tpu.memory_space<vmem_shared>>
      tpu.wait_dma2 semaphore(%arg7 : memref<!tpu.dma_semaphore, #tpu.memory_space<semaphore_mem>>) src(%dma_wait3A_315 : memref<16x2048xf32, #tpu.memory_space<vmem_shared>>) dst(%dma_wait3A_312 : memref<16x2048xf32, #tpu.memory_space<hbm>>)
      %scan3A_316 = arith.constant 0 : i32
      scf.yield %scan3A_316 : i32
    }
    %scan3A_304 = arith.constant 64 : i32
    return
  }
}

</mosaic_0001>

<sc_bundles>
// kernel: kernel.3.cloned.1.call-start
scs
__scs_entry_jumppad:
0x0: {  	(pc) =	sbr.rel $0x88, $3  }
0x1: {  	(tag) =	ssettag $0x0;
	lr =	simm.s32 $0x1  }
0x2: {  	[smem:$0x3F9F] =	sst lr;
	_ =	strace $0xD0000000  }
0x3: {  	_ = 	snop  }
0x4: {  	_ = 	snop  }
0x5: {  	_ = 	snop  }
0x6: {  	_ = 	snop  }
0x7: {  	_ = 	snop  }
__scs_overlays_trampoline_lowered:
0x8: {  	[smem:$0x3FAE] =	sst s0  }
0x9: {  	[smem:$0x3FAF] =	sst s1  }
0xa: {  	[smem:$0x3FB0] =	sst s2  }
0xb: {  	[smem:$0x3FB1] =	sst s3  }
0xc: {  	[smem:$0x3FB2] =	sst s4  }
0xd: {  	[smem:$0x3FB3] =	sst s5  }
0xe: {  	[smem:$0x3FB4] =	sst s6  }
0xf: {  	[smem:$0x3FB5] =	sst s7  }
0x10: {  	[smem:$0x3FB6] =	sst s8  }
0x11: {  	[smem:$0x3FB7] =	sst s9;
	s0 =	simm.s32 @!p0 $0x0  }
0x12: {  	s1 =	sld [smem:$0x3F9D];
	s0 =	simm.s32 @p0 $0x1  }
0x13: {  	[smem:$0x3FB8] =	sst s0;
	s0 =	simm.s32 @!p1 $0x0  }
0x14: {  	s2 =	sld [smem:$0x3F9C];
	s0 =	simm.s32 @p1 $0x1  }
0x15: {  	[smem:$0x3FB9] =	sst s0;
	s0 =	simm.s32 @!p2 $0x0  }
0x16: {  	s3 =	sld [smem:$0x3FDB];
	s0 =	simm.s32 @p2 $0x1  }
0x17: {  	s4 =	simm.s32 $0x1BF5;
	[smem:$0x3FBB] =	sst s0  }
0x18: {  	s0 =	sld [smem:$0x3F9E];
	_ =	swait.ge [sflag:s4], $0x0  }
0x19: {  	s7 =	sld [smem:$0x3F9F]  }
0x1a: {  	s8 =	sadd.s32 $0xFFFFE003, lr  }
0x1b: {  	s9 =	sadd.s32 $0xFFFFFEF7, lr;
	s5 =	simm.s32 $0xFFFFFFFF;
	p2 =	slt.u32 s8, $0xFFFFF086  }
0x1c: {  	p1 =	slt.u32 s9, $0xF7A;
	s5 =	simm.s32 @!p2 $0x0  }
0x1d: {  	s5 =	simm.s32 @p1 $0x1;
	p0 =	seq.s32 s7, s2  }
0x1e: {  	s7 =	smul.u32 @!p0 $0xF7A, s2;
	p2 =	seq.s32 @!p0 s5, $0x0  }
0x1f: {  	s9 =	smul.u32 $0xF7A, s1;
	s8 =	simm.s32 @!p0 $0x1BF5;
	p2 =	por !p2, p0  }
0x20: {  	[sflag:s8] =	ssyncset.s32 @!p0 $0xFFFFF086;
	s6 =	sadd.s32 @!p0 s3, s7;
	s7 =	simm.s32 @!p0 $0x108  }
0x21: {  	s3 =	sadd.s32 s3, s9;
	s6 =	sadd.s32 @!p0 $0x88, s6;
	s7 =	simm.s32 @p2 $0x1082  }
0x22: {  	[simem:s7], [sflag:s8] =	dma.local @!p0 [hbm:s6], $0xF7A  }
0x23: {  	s9 =	sor.u32 $0xD0000000, s2;
	s6 =	simm.s32 $0x108;
	_ =	swait.ge @!p0 [sflag:s8], $0x0  }
0x24: {  	s3 =	sadd.s32 $0x88, s3;
	s6 =	simm.s32 @!p1 $0x1082;
	[sflag:s4] =	ssyncset.s32 $0xFFFFF086  }
0x25: {  	[simem:s6], [sflag:s4] =	dma.local [hbm:s3], $0xF7A  }
0x26: {  	[smem:$0x3F9F] =	sst s1;
	(tag) =	ssettag s2;
	_ =	strace s9  }
0x27: {  	s1 =	sld [smem:$0x3FAF]  }
0x28: {  	s2 =	sld [smem:$0x3FB0]  }
0x29: {  	s4 =	sld [smem:$0x3FB2]  }
0x2a: {  	p0 =	seq.s32 s5, $0x0;
	s5 =	sld [smem:$0x3FB3]  }
0x2b: {  	s6 =	sld [smem:$0x3FB4]  }
0x2c: {  	s7 =	sld [smem:$0x3FB5]  }
0x2d: {  	s3 =	simm.s32 $0x108;
	s8 =	sld [smem:$0x3FB6]  }
0x2e: {  	s3 =	simm.s32 @!p0 $0x1082;
	s9 =	sld [smem:$0x3FB7]  }
0x2f: {  	lr =	sadd.s32 s0, s3;
	s0 =	sld [smem:$0x3FAE]  }
0x30: {  	s3 =	sld [smem:$0x3FB1]  }
0x31: {  	[smem:$0x3FBA] =	sst s10  }
0x32: {  	s10 =	sld [smem:$0x3FB8];
	_ =	sdelay $0x3  }
0x33: {  	p0 =	seq.s32 s10, $0x1;
	s10 =	sld [smem:$0x3FBA];
	_ =	sdelay $0x3  }
0x34: {  	[smem:$0x3FBA] =	sst s10  }
0x35: {  	s10 =	sld [smem:$0x3FB9];
	_ =	sdelay $0x3  }
0x36: {  	p1 =	seq.s32 s10, $0x1;
	s10 =	sld [smem:$0x3FBA];
	_ =	sdelay $0x3  }
0x37: {  	[smem:$0x3FBA] =	sst s10  }
0x38: {  	s10 =	sld [smem:$0x3FBB]  }
0x39: {  	_ = 	snop;
	(pc) =	sbr.ind lr, $3  }
0x3a: {  	_ = 	snop  }
0x3b: {  	_ = 	snop  }
0x3c: {  	p2 =	seq.s32 s10, $0x1;
	s10 =	sld [smem:$0x3FBA]  }
0x3d: {  	_ =	shalt  }
0x3e: {  	_ =	shalt  }
0x3f: {  	_ =	shalt  }
0x40: {  	_ =	shalt  }
0x41: {  	_ =	shalt  }
0x42: {  	_ =	shalt  }
0x43: {  	_ =	shalt  }
0x44: {  	_ =	shalt  }
0x45: {  	_ =	shalt  }
0x46: {  	_ =	shalt  }
0x47: {  	_ =	shalt  }
0x48: {  	_ =	shalt  }
0x49: {  	_ =	shalt  }
0x4a: {  	_ =	shalt  }
0x4b: {  	_ =	shalt  }
0x4c: {  	_ =	shalt  }
0x4d: {  	_ =	shalt  }
0x4e: {  	_ =	shalt  }
0x4f: {  	_ =	shalt  }
0x50: {  	_ =	shalt  }
0x51: {  	_ =	shalt  }
0x52: {  	_ =	shalt  }
0x53: {  	_ =	shalt  }
0x54: {  	_ =	shalt  }
0x55: {  	_ =	shalt  }
0x56: {  	_ =	shalt  }
0x57: {  	_ =	shalt  }
0x58: {  	_ =	shalt  }
0x59: {  	_ =	shalt  }
0x5a: {  	_ =	shalt  }
0x5b: {  	_ =	shalt  }
0x5c: {  	_ =	shalt  }
0x5d: {  	_ =	shalt  }
0x5e: {  	_ =	shalt  }
0x5f: {  	_ =	shalt  }
0x60: {  	_ =	shalt  }
0x61: {  	_ =	shalt  }
0x62: {  	_ =	shalt  }
0x63: {  	_ =	shalt  }
0x64: {  	_ =	shalt  }
0x65: {  	_ =	shalt  }
0x66: {  	_ =	shalt  }
0x67: {  	_ =	shalt  }
0x68: {  	_ =	shalt  }
0x69: {  	_ =	shalt  }
0x6a: {  	_ =	shalt  }
0x6b: {  	_ =	shalt  }
0x6c: {  	_ =	shalt  }
0x6d: {  	_ =	shalt  }
0x6e: {  	_ =	shalt  }
0x6f: {  	_ =	shalt  }
0x70: {  	_ =	shalt  }
0x71: {  	_ =	shalt  }
0x72: {  	_ =	shalt  }
0x73: {  	_ =	shalt  }
0x74: {  	_ =	shalt  }
0x75: {  	_ =	shalt  }
0x76: {  	_ =	shalt  }
0x77: {  	_ =	shalt  }
0x78: {  	_ =	shalt  }
0x79: {  	_ =	shalt  }
0x7a: {  	_ =	shalt  }
0x7b: {  	_ =	shalt  }
0x7c: {  	_ =	shalt  }
0x7d: {  	_ =	shalt  }
0x7e: {  	_ =	shalt  }
0x7f: {  	_ =	shalt  }
0x80: {  	_ =	shalt  }
0x81: {  	_ =	shalt  }
0x82: {  	_ =	shalt  }
0x83: {  	_ =	shalt  }
0x84: {  	_ =	shalt  }
0x85: {  	_ =	shalt  }
0x86: {  	_ =	shalt  }
0x87: {  	_ =	shalt  }
.Lfunc_end0:
.L_simem_size_0:
called_computation_lowered:
.L_overlay_start_0:
0x88: {  	s2 =	sld [smem:$0x3FD9]  }
0x89: {  	s3 =	sld [smem:$0x3FFE];
	_ =	sdelay $0x1  }
0x8a: {  	s1 =	srdreg.scid  }
0x8b: {  	s0 =	sand.u32 $0x1, s1  }
0x8c: {  	s18 =	sshll.u32 s0, $0xA;
	s2 =	sadd.s32 s3, s2  }
0x8d: {  	s2 =	sadd.s32 s2, s18  }
0x8e: {  	[smem:$0x3FC6] =	sst s2  }
0x8f: {  	_ = 	snop  }
0x90: {  	s2 =	sld [smem:$0x3FC9]  }
0x91: {  	s19 =	sld [smem:$0x3FC8]  }
0x92: {  	s4 =	sld [smem:$0x3FD0];
	(tm) =	ssettm $0x1  }
0x93: {  	s5 =	sld [smem:$0x3FFB];
	_ =	sdelay $0x3  }
0x94: {  	_ =	strace s5  }
0x95: {  	s5 =	sld [smem:$0x3FFC];
	_ =	sdelay $0x3  }
0x96: {  	_ =	strace s5  }
0x97: {  	s5 =	sld [smem:$0x3FFD];
	_ =	sdelay $0x3  }
0x98: {  	_ =	strace s5  }
0x99: {  	_ =	strace $0x8FFFFFFF  }
0x9a: {  	s20 =	sld [smem:$0x3FDB];
	_ =	sdelay $0x1  }
0x9b: {  	s6 =	simm.s32 $_scs_section_size  }
0x9c: {  	s7 =	simm.s32 $_size__tile_overlayer_lowered;
	s8 =	simm.s32 $_tile_overlayer_lowered  }
0x9d: {  	s23 =	simm.s32 $0x1BFF;
	s22 =	sshll.u32 s8, $0x1;
	s5 =	sadd.s32 s6, s20  }
0x9e: {  	s9 =	simm.s32 $0x0;
	s21 =	sshll.u32 s7, $0x1;
	s7 =	sadd.s32 s22, s5  }
0x9f: {  	[timem:s9], [sflag:s23] =	dma.local [hbm:s7], s21  }
0xa0: {  	_ =	swait.ge [sflag:s23], s21  }
0xa1: {  	s6 =	ssub.s32 $0x0, s21;
	[sflag:s23] =	ssyncset.done $0x0  }
0xa2: {  	[sflag:s23] =	ssyncadd.s32 s6;
	_ =	sdelay $0x1  }
0xa3: {  	s24 =	simm.s32 $0x1B8B  }
0xa4: {  	_ =	swait.ge [sflag:s24], $0x1  }
0xa5: {  	[sflag:s24] =	ssyncset.done $0x0  }
0xa6: {  	s25 =	simm.s32 $0x1B8E;
	[sflag:s24] =	ssyncadd.s32 $0xFFFFFFFF  }
0xa7: {  	s26 =	simm.s32 $execute0_lowered;
	[smem:$0x3FD2] =	sst s25  }
0xa8: {  	s6 =	sshll.u32 s26, $0x1;
	_ =	strace $0x80000046;
	[dreg:$0x1] =	wrdreg $0xFFFFFFFF  }
0xa9: {  	s28 =	simm.s32 $_size_execute0_lowered;
	s5 =	sadd.s32 s5, s6;
	[dreg:$0x0] =	wrdreg $0x0  }
0xaa: {  	s6 =	sshll.u32 s28, $0x1;
	[dreg:$0x2] =	wrdreg s5  }
0xab: {  	[dreg:$0x3] =	wrdreg s6  }
0xac: {  	[dreg:$0x4] =	wrdreg $0xC0  }
0xad: {  	_ =	task [dreg:s9], $0x5FFFF  }
0xae: {  	[dreg:$0x1] =	wrdreg $0xFFFFFFFF  }
0xaf: {  	[dreg:$0x0] =	wrdreg $0x60  }
0xb0: {  	[dreg:$0x2] =	wrdreg s19  }
0xb1: {  	[dreg:$0x3] =	wrdreg s2  }
0xb2: {  	[dreg:$0x4] =	wrdreg s4  }
0xb3: {  	[dreg:$0x5] =	wrdreg $0x4000  }
0xb4: {  	[dreg:$0x6] =	wrdreg $0x9  }
0xb5: {  	_ =	task.clear_ibuf [dreg:s9], $0x7FFFF;
	_ =	strace $0x90000046  }
0xb6: {  	s29 =	simm.s32 $0x9;
	_ =	strace $0x80000048  }
0xb7: {  	_ =	swait.ge [sflag:s29], $0x1  }
0xb8: {  	[sflag:s29] =	ssyncadd.s32 $0xFFFFFFFF  }
0xb9: {  	_ =	strace $0x90000048  }
0xba: {  	_ =	sfence  }
0xbb: {  	s30 =	sld [smem:$0x0];
	_ =	sdelay $0x2  }
0xbc: {  	s31 =	sshll.u32 s1, $0xD;
	s1 =	sshrl.u32 s1, $0x2  }
0xbd: {  	s3 =	sand.u32 $0x4000, s31;
	s1 =	sadd.s32 s1, s30  }
0xbe: {  	s0 =	sor.u32 s3, s0;
	s1 =	sshll.u32 s1, $0x11  }
0xbf: {  	s0 =	sor.u32 s1, s0  }
0xc0: {  	s0 =	sadd.s32 $0x8F2B, s0  }
0xc1: {  	[sflag:s0] =	ssyncadd.remote.s32 $0x1  }
0xc2: {  	_ =	sfence.sel $0xFFFF  }
0xc3: {  	[dreg:$0x0] =	wrdreg $0xFFFFFFFF;
	(pc) =	sbr.abs _section_cstart, $3  }
0xc4: {  	[dreg:$0x1] =	wrdreg $0xFFFFFFFF  }
0xc5: {  	_ =	task.clear_ibuf [dreg:s9], $0x2FFFF;
	_ =	strace $0x9FFFFFFF  }
0xc6: {  	(tm) =	ssettm $0x7FFFFFFF  }
0xc7: {  	_ =	shalt  }
tec
execute0_lowered:
.L_overlay_start_1:
0x0: {  	(tag) =	ssettag $0x1  }
0x1: {  	s0 =	rddreg [dreg:$0x0]  }
0x2: {  	s2 =	rddreg [dreg:$0x1]  }
0x3: {  	s3 =	rddreg [dreg:$0x2];
	s4 =	srdreg.scid  }
0x4: {  	s1 =	rddreg [dreg:$0x3];
	s6 =	simm.s32 $0x0;
	s9 =	stileid.u32  }
0x5: {  	s4 =	sand.u32 $0x1, s4;
	[smem:$0x7FF] =	sst s6;
	s24 =	sshll.u32 s9, $0x1  }
0x6: {  	s7 =	sshll.u32 s9, $0xD;
	s8 =	sshll.u32 s9, $0x10;
	s25 =	sshll.u32 s9, $0x2  }
0x7: {  	s10 =	sshll.u32 s9, $0x6;
	s22 =	sshll.u32 s9, $0x13;
	s5 =	ssub.s32 $0x2, s4  }
0x8: {  	_ =	strace $0x80000047;
	s6 =	sor.u32 s4, s24;
	s0 =	sadd.s32 s0, s7  }
0x9: {  	s7 =	sand.u32 $0x30, s25;
	[dreg:$0x6] =	wrdreg s10;
	s10 =	sor.u32 $0x1C02, s10  }
0xa: {  	s23 =	sshrl.u32 s5, $0x1;
	[dreg:$0x5] =	wrdreg s0;
	s0 =	sadd.s32 s8, s1  }
0xb: {  	s26 =	sshll.u32 s6, $0x9;
	s2 =	sadd.s32 s2, s7;
	s6 =	sshll.u32 s6, $0x12  }
0xc: {  	[dreg:$0x7] =	wrdreg s10;
	s8 =	sand.u32 $0xE00, s26;
	s0 =	sshrl.u32 s0, $0x3  }
0xd: {  	s5 =	ssub.s32 s5, s23;
	s2 =	sadd.s32 s8, s2;
	[dreg:$0x18] =	wrdreg s0  }
0xe: {  	s8 =	sadd.s32 s3, s6;
	s26 =	smax.u32 s5, $0x1;
	[dreg:$0x8] =	wrdreg s2  }
0xf: {  	s23 =	sshll.u32 s4, $0x12;
	s11 =	sadd.s32 $0x10, s8;
	[dreg:$0x17] =	wrdreg s26  }
0x10: {  	s5 =	simm.s32 $0x0;
	s12 =	sadd.s32 $0x20, s8;
	[dreg:$0x9] =	wrdreg s11  }
0x11: {  	s13 =	sadd.s32 $0x30, s8;
	s14 =	sadd.s32 $0x40, s8;
	[dreg:$0xa] =	wrdreg s12  }
0x12: {  	s15 =	sadd.s32 $0x50, s8;
	s16 =	sadd.s32 $0x60, s8;
	[dreg:$0xb] =	wrdreg s13  }
0x13: {  	s17 =	sadd.s32 $0x70, s8;
	s18 =	sadd.s32 $0x800, s8;
	[dreg:$0xc] =	wrdreg s14  }
0x14: {  	s19 =	sadd.s32 $0x810, s8;
	s20 =	sadd.s32 $0x820, s8;
	[dreg:$0xd] =	wrdreg s15  }
0x15: {  	s21 =	sadd.s32 $0x830, s8;
	s6 =	sadd.s32 $0x840, s8;
	[dreg:$0xe] =	wrdreg s16  }
0x16: {  	s2 =	sadd.s32 s22, s3;
	s24 =	sadd.s32 $0x850, s8;
	[dreg:$0xf] =	wrdreg s17  }
0x17: {  	s25 =	sadd.s32 $0x860, s8;
	s26 =	sadd.s32 $0x870, s8;
	[dreg:$0x10] =	wrdreg s18  }
0x18: {  	s28 =	sadd.s32 $0x1000, s8;
	s29 =	sadd.s32 $0x1010, s8;
	[dreg:$0x11] =	wrdreg s19  }
0x19: {  	s30 =	sadd.s32 $0x1020, s8;
	s31 =	sadd.s32 $0x1030, s8;
	[dreg:$0x12] =	wrdreg s20  }
0x1a: {  	s0 =	sadd.s32 $0x1040, s8;
	s3 =	sadd.s32 $0x1060, s8;
	[dreg:$0x13] =	wrdreg s21  }
0x1b: {  	s4 =	sadd.s32 $0x1070, s8;
	s7 =	sadd.s32 $0x1810, s8;
	[dreg:$0x14] =	wrdreg s6  }
.Ltmp0:
0x1c: {  	s9 =	sadd.s32 $0x1820, s8;
	[dreg:$0x15] =	wrdreg s24;
	(pc) =	sbr.rel .LBB2_1-.Ltmp0, $4  }
0x1d: {  	s10 =	sadd.s32 $0x1830, s8;
	s22 =	sadd.s32 s23, s2;
	[dreg:$0x16] =	wrdreg s25  }
0x1e: {  	s2 =	sadd.s32 $0x1050, s8;
	s6 =	sadd.s32 $0x1800, s8;
	s11 =	sadd.s32 $0x1840, s8  }
0x1f: {  	s12 =	sadd.s32 $0x1850, s8;
	s13 =	sadd.s32 $0x1860, s8;
	s14 =	sadd.s32 $0x1870, s8  }
0x20: {  	s15 =	simm.s32 $0x2;
	s16 =	simm.s32 $0x80;
	s17 =	simm.s32 $0x1  }
.LBB2_5:
0x21: {  	s5 =	sadd.s32 $0x1, s5;
	s18 =	rddreg [dreg:$0x17]  }
0x22: {  	p0 =	sne.s32 s5, s18  }
.Ltmp1:
0x23: {  	_ = 	snop;
	(pc) =	sbr.rel @!p0 .LBB2_6-.Ltmp1, $1  }
0x24: {  	_ =	sdelay $0x3  }
.LBB2_1:
0x25: {  	s18 =	rddreg [dreg:$0x5]  }
0x26: {  	s19 =	rddreg [dreg:$0x7]  }
0x27: {  	s20 =	rddreg [dreg:$0x18]  }
0x28: {  	[spmem:s20], [sflag:s19] =	dma.local [hbm:s18], $0x2000  }
0x29: {  	_ =	swait.ge [sflag:s15], $0x2000  }
0x2a: {  	s23 =	simm.s32 $0x0;
	[sflag:s15] =	ssyncset.done $0x0  }
0x2b: {  	s25 =	simm.s32 $0x200;
	s24 =	rddreg [dreg:$0x8];
	[sflag:s15] =	ssyncadd.s32 $0xFFFFE000  }
0x2c: {  	[tilespmem:s23], [sflag:$0x2] =	stream.strided.gather [hbm4b:s24+s16], $0x400, s25, s16, $0x38;
	[tilespmem:$0x10400] =	vst v63  }
0x2d: {  	_ =	swait.ge [sflag:s15], $0x400  }
0x2e: {  	[sflag:s15] =	ssyncset.done $0x0  }
0x2f: {  	[sflag:s15] =	ssyncadd.s32 $0xFFFFFC00  }
0x30: {  	[bflag:$0x0] =	sbarrier.arrive $0xFFFF  }
0x31: {  	v0 =	vld [tilespmem:$0x0];
	_ =	sdelay $0x4  }
0x32: {  	(v2sf) =	vpush v0, $0x0;
	_ =	sdelay $0xe  }
0x33: {  	s21 =	spop (v2sf)  }
0x34: {  	s23 =	sshll.u32 s21, $0xB  }
0x35: {  	s18 =	sshll.u32 s21, $0x7;
	s19 =	sand.u32 $0xFFFFC000, s23  }
0x36: {  	s18 =	sand.u32 $0x380, s18;
	s19 =	sadd.s32 s19, s1  }
0x37: {  	s24 =	rddreg [dreg:$0x6];
	s19 =	sadd.s32 s18, s19  }
0x38: {  	s18 =	sor.u32 $0x1C01, s24;
	s19 =	sshrl.u32 s19, $0x3  }
0x39: {  	[hbm:s8@s16], [sflag:s18] =	dma.strided [spmem:s19@s16], $0x100, s17, $0x10   }
0x3a: {  	(v2sf) =	vpush v0, $0x1;
	_ =	sdelay $0xe  }
0x3b: {  	s19 =	spop (v2sf)  }
0x3c: {  	s25 =	sshll.u32 s19, $0xB  }
0x3d: {  	s19 =	sshll.u32 s19, $0x7;
	s20 =	sand.u32 $0xFFFFC000, s25  }
0x3e: {  	s19 =	sand.u32 $0x380, s19;
	s20 =	sadd.s32 s20, s1  }
0x3f: {  	s19 =	sadd.s32 s19, s20  }
0x40: {  	s21 =	rddreg [dreg:$0x9];
	s19 =	sshrl.u32 s19, $0x3  }
0x41: {  	[hbm:s21@s16], [sflag:s18] =	dma.strided [spmem:s19@s16], $0x100, s17, $0x10   }
0x42: {  	(v2sf) =	vpush v0, $0x2;
	_ =	sdelay $0xe  }
0x43: {  	s19 =	spop (v2sf)  }
0x44: {  	s23 =	sshll.u32 s19, $0xB  }
0x45: {  	s19 =	sshll.u32 s19, $0x7;
	s20 =	sand.u32 $0xFFFFC000, s23  }
0x46: {  	s19 =	sand.u32 $0x380, s19;
	s20 =	sadd.s32 s20, s1  }
0x47: {  	s19 =	sadd.s32 s19, s20  }
0x48: {  	s24 =	rddreg [dreg:$0xa];
	s19 =	sshrl.u32 s19, $0x3  }
0x49: {  	[hbm:s24@s16], [sflag:s18] =	dma.strided [spmem:s19@s16], $0x100, s17, $0x10   }
0x4a: {  	(v2sf) =	vpush v0, $0x3;
	_ =	sdelay $0xe  }
0x4b: {  	s19 =	spop (v2sf)  }
0x4c: {  	s25 =	sshll.u32 s19, $0xB  }
0x4d: {  	s19 =	sshll.u32 s19, $0x7;
	s20 =	sand.u32 $0xFFFFC000, s25  }
0x4e: {  	s19 =	sand.u32 $0x380, s19;
	s20 =	sadd.s32 s20, s1  }
0x4f: {  	s19 =	sadd.s32 s19, s20  }
0x50: {  	s21 =	rddreg [dreg:$0xb];
	s19 =	sshrl.u32 s19, $0x3  }
0x51: {  	[hbm:s21@s16], [sflag:s18] =	dma.strided [spmem:s19@s16], $0x100, s17, $0x10   }
0x52: {  	(v2sf) =	vpush v0, $0x4;
	_ =	sdelay $0xe  }
0x53: {  	s19 =	spop (v2sf)  }
0x54: {  	s23 =	sshll.u32 s19, $0xB  }
0x55: {  	s19 =	sshll.u32 s19, $0x7;
	s20 =	sand.u32 $0xFFFFC000, s23  }
0x56: {  	s19 =	sand.u32 $0x380, s19;
	s20 =	sadd.s32 s20, s1  }
0x57: {  	s19 =	sadd.s32 s19, s20  }
0x58: {  	s24 =	rddreg [dreg:$0xc];
	s19 =	sshrl.u32 s19, $0x3  }
0x59: {  	[hbm:s24@s16], [sflag:s18] =	dma.strided [spmem:s19@s16], $0x100, s17, $0x10   }
0x5a: {  	(v2sf) =	vpush v0, $0x5;
	_ =	sdelay $0xe  }
0x5b: {  	s19 =	spop (v2sf)  }
0x5c: {  	s25 =	sshll.u32 s19, $0xB  }
0x5d: {  	s19 =	sshll.u32 s19, $0x7;
	s20 =	sand.u32 $0xFFFFC000, s25  }
0x5e: {  	s19 =	sand.u32 $0x380, s19;
	s20 =	sadd.s32 s20, s1  }
0x5f: {  	s19 =	sadd.s32 s19, s20  }
0x60: {  	s21 =	rddreg [dreg:$0xd];
	s19 =	sshrl.u32 s19, $0x3  }
0x61: {  	[hbm:s21@s16], [sflag:s18] =	dma.strided [spmem:s19@s16], $0x100, s17, $0x10   }
0x62: {  	(v2sf) =	vpush v0, $0x6;
	_ =	sdelay $0xe  }
0x63: {  	s19 =	spop (v2sf)  }
0x64: {  	s23 =	sshll.u32 s19, $0xB  }
0x65: {  	s19 =	sshll.u32 s19, $0x7;
	s20 =	sand.u32 $0xFFFFC000, s23  }
0x66: {  	s19 =	sand.u32 $0x380, s19;
	s20 =	sadd.s32 s20, s1  }
0x67: {  	s19 =	sadd.s32 s19, s20  }
0x68: {  	s24 =	rddreg [dreg:$0xe];
	s19 =	sshrl.u32 s19, $0x3  }
0x69: {  	[hbm:s24@s16], [sflag:s18] =	dma.strided [spmem:s19@s16], $0x100, s17, $0x10   }
0x6a: {  	(v2sf) =	vpush v0, $0x7;
	_ =	sdelay $0xe  }
0x6b: {  	s19 =	spop (v2sf)  }
0x6c: {  	s25 =	sshll.u32 s19, $0xB  }
0x6d: {  	s19 =	sshll.u32 s19, $0x7;
	s20 =	sand.u32 $0xFFFFC000, s25  }
0x6e: {  	s19 =	sand.u32 $0x380, s19;
	s20 =	sadd.s32 s20, s1  }
0x6f: {  	s19 =	sadd.s32 s19, s20  }
0x70: {  	s21 =	rddreg [dreg:$0xf];
	s19 =	sshrl.u32 s19, $0x3  }
0x71: {  	[hbm:s21@s16], [sflag:s18] =	dma.strided [spmem:s19@s16], $0x100, s17, $0x10   }
0x72: {  	(v2sf) =	vpush v0, $0x8;
	_ =	sdelay $0xe  }
0x73: {  	s19 =	spop (v2sf)  }
0x74: {  	s23 =	sshll.u32 s19, $0xB  }
0x75: {  	s19 =	sshll.u32 s19, $0x7;
	s20 =	sand.u32 $0xFFFFC000, s23  }
0x76: {  	s19 =	sand.u32 $0x380, s19;
	s20 =	sadd.s32 s20, s1  }
0x77: {  	s19 =	sadd.s32 s19, s20  }
0x78: {  	s24 =	rddreg [dreg:$0x10];
	s19 =	sshrl.u32 s19, $0x3  }
0x79: {  	[hbm:s24@s16], [sflag:s18] =	dma.strided [spmem:s19@s16], $0x100, s17, $0x10   }
0x7a: {  	(v2sf) =	vpush v0, $0x9;
	_ =	sdelay $0xe  }
0x7b: {  	s19 =	spop (v2sf)  }
0x7c: {  	s25 =	sshll.u32 s19, $0xB  }
0x7d: {  	s19 =	sshll.u32 s19, $0x7;
	s20 =	sand.u32 $0xFFFFC000, s25  }
0x7e: {  	s19 =	sand.u32 $0x380, s19;
	s20 =	sadd.s32 s20, s1  }
0x7f: {  	s19 =	sadd.s32 s19, s20  }
0x80: {  	s21 =	rddreg [dreg:$0x11];
	s19 =	sshrl.u32 s19, $0x3  }
0x81: {  	[hbm:s21@s16], [sflag:s18] =	dma.strided [spmem:s19@s16], $0x100, s17, $0x10   }
0x82: {  	(v2sf) =	vpush v0, $0xA;
	_ =	sdelay $0xe  }
0x83: {  	s19 =	spop (v2sf)  }
0x84: {  	s23 =	sshll.u32 s19, $0xB  }
0x85: {  	s19 =	sshll.u32 s19, $0x7;
	s20 =	sand.u32 $0xFFFFC000, s23  }
0x86: {  	s19 =	sand.u32 $0x380, s19;
	s20 =	sadd.s32 s20, s1  }
0x87: {  	s19 =	sadd.s32 s19, s20  }
0x88: {  	s24 =	rddreg [dreg:$0x12];
	s19 =	sshrl.u32 s19, $0x3  }
0x89: {  	[hbm:s24@s16], [sflag:s18] =	dma.strided [spmem:s19@s16], $0x100, s17, $0x10   }
0x8a: {  	(v2sf) =	vpush v0, $0xB;
	_ =	sdelay $0xe  }
0x8b: {  	s19 =	spop (v2sf)  }
0x8c: {  	s25 =	sshll.u32 s19, $0xB  }
0x8d: {  	s19 =	sshll.u32 s19, $0x7;
	s20 =	sand.u32 $0xFFFFC000, s25  }
0x8e: {  	s19 =	sand.u32 $0x380, s19;
	s20 =	sadd.s32 s20, s1  }
0x8f: {  	s19 =	sadd.s32 s19, s20  }
0x90: {  	s21 =	rddreg [dreg:$0x13];
	s19 =	sshrl.u32 s19, $0x3  }
0x91: {  	[hbm:s21@s16], [sflag:s18] =	dma.strided [spmem:s19@s16], $0x100, s17, $0x10   }
0x92: {  	(v2sf) =	vpush v0, $0xC;
	_ =	sdelay $0xe  }
0x93: {  	s19 =	spop (v2sf)  }
0x94: {  	s23 =	sshll.u32 s19, $0xB  }
0x95: {  	s19 =	sshll.u32 s19, $0x7;
	s20 =	sand.u32 $0xFFFFC000, s23  }
0x96: {  	s19 =	sand.u32 $0x380, s19;
	s20 =	sadd.s32 s20, s1  }
0x97: {  	s19 =	sadd.s32 s19, s20  }
0x98: {  	s24 =	rddreg [dreg:$0x14];
	s19 =	sshrl.u32 s19, $0x3  }
0x99: {  	[hbm:s24@s16], [sflag:s18] =	dma.strided [spmem:s19@s16], $0x100, s17, $0x10   }
0x9a: {  	(v2sf) =	vpush v0, $0xD;
	_ =	sdelay $0xe  }
0x9b: {  	s19 =	spop (v2sf)  }
0x9c: {  	s25 =	sshll.u32 s19, $0xB  }
0x9d: {  	s19 =	sshll.u32 s19, $0x7;
	s20 =	sand.u32 $0xFFFFC000, s25  }
0x9e: {  	s19 =	sand.u32 $0x380, s19;
	s20 =	sadd.s32 s20, s1  }
0x9f: {  	s19 =	sadd.s32 s19, s20  }
0xa0: {  	s21 =	rddreg [dreg:$0x15];
	s19 =	sshrl.u32 s19, $0x3  }
0xa1: {  	[hbm:s21@s16], [sflag:s18] =	dma.strided [spmem:s19@s16], $0x100, s17, $0x10   }
0xa2: {  	(v2sf) =	vpush v0, $0xE;
	_ =	sdelay $0xe  }
0xa3: {  	s19 =	spop (v2sf)  }
0xa4: {  	s23 =	sshll.u32 s19, $0xB  }
0xa5: {  	s19 =	sshll.u32 s19, $0x7;
	s20 =	sand.u32 $0xFFFFC000, s23  }
0xa6: {  	s19 =	sand.u32 $0x380, s19;
	s20 =	sadd.s32 s20, s1  }
0xa7: {  	s19 =	sadd.s32 s19, s20  }
0xa8: {  	s24 =	rddreg [dreg:$0x16];
	s19 =	sshrl.u32 s19, $0x3  }
0xa9: {  	[hbm:s24@s16], [sflag:s18] =	dma.strided [spmem:s19@s16], $0x100, s17, $0x10   }
0xaa: {  	(v2sf) =	vpush v0, $0xF;
	_ =	sdelay $0xe  }
0xab: {  	s19 =	spop (v2sf)  }
0xac: {  	s25 =	sshll.u32 s19, $0xB  }
0xad: {  	s19 =	sshll.u32 s19, $0x7;
	s20 =	sand.u32 $0xFFFFC000, s25  }
0xae: {  	s19 =	sand.u32 $0x380, s19;
	s20 =	sadd.s32 s20, s1  }
0xaf: {  	s19 =	sadd.s32 s19, s20  }
0xb0: {  	s19 =	sshrl.u32 s19, $0x3  }
0xb1: {  	[hbm:s26@s16], [sflag:s18] =	dma.strided [spmem:s19@s16], $0x100, s17, $0x10   }
0xb2: {  	v63 =	vld [tilespmem:$0x10];
	_ =	sdelay $0x4  }
0xb3: {  	(v2sf) =	vpush v63, $0x0;
	_ =	sdelay $0xe  }
0xb4: {  	s19 =	spop (v2sf)  }
0xb5: {  	s21 =	sshll.u32 s19, $0xB  }
0xb6: {  	s19 =	sshll.u32 s19, $0x7;
	s20 =	sand.u32 $0xFFFFC000, s21  }
0xb7: {  	s19 =	sand.u32 $0x380, s19;
	s20 =	sadd.s32 s20, s1  }
0xb8: {  	s19 =	sadd.s32 s19, s20  }
0xb9: {  	s19 =	sshrl.u32 s19, $0x3  }
0xba: {  	[hbm:s28@s16], [sflag:s18] =	dma.strided [spmem:s19@s16], $0x100, s17, $0x10   }
0xbb: {  	(v2sf) =	vpush v63, $0x1;
	_ =	sdelay $0xe  }
0xbc: {  	s19 =	spop (v2sf)  }
0xbd: {  	s23 =	sshll.u32 s19, $0xB  }
0xbe: {  	s19 =	sshll.u32 s19, $0x7;
	s20 =	sand.u32 $0xFFFFC000, s23  }
0xbf: {  	s19 =	sand.u32 $0x380, s19;
	s20 =	sadd.s32 s20, s1  }
0xc0: {  	s19 =	sadd.s32 s19, s20  }
0xc1: {  	s19 =	sshrl.u32 s19, $0x3  }
0xc2: {  	[hbm:s29@s16], [sflag:s18] =	dma.strided [spmem:s19@s16], $0x100, s17, $0x10   }
0xc3: {  	(v2sf) =	vpush v63, $0x2;
	_ =	sdelay $0xe  }
0xc4: {  	s19 =	spop (v2sf)  }
0xc5: {  	s24 =	sshll.u32 s19, $0xB  }
0xc6: {  	s19 =	sshll.u32 s19, $0x7;
	s20 =	sand.u32 $0xFFFFC000, s24  }
0xc7: {  	s19 =	sand.u32 $0x380, s19;
	s20 =	sadd.s32 s20, s1  }
0xc8: {  	s19 =	sadd.s32 s19, s20  }
0xc9: {  	s19 =	sshrl.u32 s19, $0x3  }
0xca: {  	[hbm:s30@s16], [sflag:s18] =	dma.strided [spmem:s19@s16], $0x100, s17, $0x10   }
0xcb: {  	(v2sf) =	vpush v63, $0x3;
	_ =	sdelay $0xe  }
0xcc: {  	s19 =	spop (v2sf)  }
0xcd: {  	s25 =	sshll.u32 s19, $0xB  }
0xce: {  	s19 =	sshll.u32 s19, $0x7;
	s20 =	sand.u32 $0xFFFFC000, s25  }
0xcf: {  	s19 =	sand.u32 $0x380, s19;
	s20 =	sadd.s32 s20, s1  }
0xd0: {  	s19 =	sadd.s32 s19, s20  }
0xd1: {  	s19 =	sshrl.u32 s19, $0x3  }
0xd2: {  	[hbm:s31@s16], [sflag:s18] =	dma.strided [spmem:s19@s16], $0x100, s17, $0x10   }
0xd3: {  	(v2sf) =	vpush v63, $0x4;
	_ =	sdelay $0xe  }
0xd4: {  	s19 =	spop (v2sf)  }
0xd5: {  	s21 =	sshll.u32 s19, $0xB  }
0xd6: {  	s19 =	sshll.u32 s19, $0x7;
	s20 =	sand.u32 $0xFFFFC000, s21  }
0xd7: {  	s19 =	sand.u32 $0x380, s19;
	s20 =	sadd.s32 s20, s1  }
0xd8: {  	s19 =	sadd.s32 s19, s20  }
0xd9: {  	s19 =	sshrl.u32 s19, $0x3  }
0xda: {  	[hbm:s0@s16], [sflag:s18] =	dma.strided [spmem:s19@s16], $0x100, s17, $0x10   }
0xdb: {  	(v2sf) =	vpush v63, $0x5;
	_ =	sdelay $0xe  }
0xdc: {  	s19 =	spop (v2sf)  }
0xdd: {  	s23 =	sshll.u32 s19, $0xB  }
0xde: {  	s19 =	sshll.u32 s19, $0x7;
	s20 =	sand.u32 $0xFFFFC000, s23  }
0xdf: {  	s19 =	sand.u32 $0x380, s19;
	s20 =	sadd.s32 s20, s1  }
0xe0: {  	s19 =	sadd.s32 s19, s20  }
0xe1: {  	s19 =	sshrl.u32 s19, $0x3  }
0xe2: {  	[hbm:s2@s16], [sflag:s18] =	dma.strided [spmem:s19@s16], $0x100, s17, $0x10   }
0xe3: {  	(v2sf) =	vpush v63, $0x6;
	_ =	sdelay $0xe  }
0xe4: {  	s19 =	spop (v2sf)  }
0xe5: {  	s24 =	sshll.u32 s19, $0xB  }
0xe6: {  	s19 =	sshll.u32 s19, $0x7;
	s20 =	sand.u32 $0xFFFFC000, s24  }
0xe7: {  	s19 =	sand.u32 $0x380, s19;
	s20 =	sadd.s32 s20, s1  }
0xe8: {  	s19 =	sadd.s32 s19, s20  }
0xe9: {  	s19 =	sshrl.u32 s19, $0x3  }
0xea: {  	[hbm:s3@s16], [sflag:s18] =	dma.strided [spmem:s19@s16], $0x100, s17, $0x10   }
0xeb: {  	(v2sf) =	vpush v63, $0x7;
	_ =	sdelay $0xe  }
0xec: {  	s19 =	spop (v2sf)  }
0xed: {  	s25 =	sshll.u32 s19, $0xB  }
0xee: {  	s19 =	sshll.u32 s19, $0x7;
	s20 =	sand.u32 $0xFFFFC000, s25  }
0xef: {  	s19 =	sand.u32 $0x380, s19;
	s20 =	sadd.s32 s20, s1  }
0xf0: {  	s19 =	sadd.s32 s19, s20  }
0xf1: {  	s19 =	sshrl.u32 s19, $0x3  }
0xf2: {  	[hbm:s4@s16], [sflag:s18] =	dma.strided [spmem:s19@s16], $0x100, s17, $0x10   }
0xf3: {  	(v2sf) =	vpush v63, $0x8;
	_ =	sdelay $0xe  }
0xf4: {  	s19 =	spop (v2sf)  }
0xf5: {  	s21 =	sshll.u32 s19, $0xB  }
0xf6: {  	s19 =	sshll.u32 s19, $0x7;
	s20 =	sand.u32 $0xFFFFC000, s21  }
0xf7: {  	s19 =	sand.u32 $0x380, s19;
	s20 =	sadd.s32 s20, s1  }
0xf8: {  	s19 =	sadd.s32 s19, s20  }
0xf9: {  	s19 =	sshrl.u32 s19, $0x3  }
0xfa: {  	[hbm:s6@s16], [sflag:s18] =	dma.strided [spmem:s19@s16], $0x100, s17, $0x10   }
0xfb: {  	(v2sf) =	vpush v63, $0x9;
	_ =	sdelay $0xe  }
0xfc: {  	s19 =	spop (v2sf)  }
0xfd: {  	s23 =	sshll.u32 s19, $0xB  }
0xfe: {  	s19 =	sshll.u32 s19, $0x7;
	s20 =	sand.u32 $0xFFFFC000, s23  }
0xff: {  	s19 =	sand.u32 $0x380, s19;
	s20 =	sadd.s32 s20, s1  }
0x100: {  	s19 =	sadd.s32 s19, s20  }
0x101: {  	s19 =	sshrl.u32 s19, $0x3  }
0x102: {  	[hbm:s7@s16], [sflag:s18] =	dma.strided [spmem:s19@s16], $0x100, s17, $0x10   }
0x103: {  	(v2sf) =	vpush v63, $0xA;
	_ =	sdelay $0xe  }
0x104: {  	s19 =	spop (v2sf)  }
0x105: {  	s24 =	sshll.u32 s19, $0xB  }
0x106: {  	s19 =	sshll.u32 s19, $0x7;
	s20 =	sand.u32 $0xFFFFC000, s24  }
0x107: {  	s19 =	sand.u32 $0x380, s19;
	s20 =	sadd.s32 s20, s1  }
0x108: {  	s19 =	sadd.s32 s19, s20  }
0x109: {  	s19 =	sshrl.u32 s19, $0x3  }
0x10a: {  	[hbm:s9@s16], [sflag:s18] =	dma.strided [spmem:s19@s16], $0x100, s17, $0x10   }
0x10b: {  	(v2sf) =	vpush v63, $0xB;
	_ =	sdelay $0xe  }
0x10c: {  	s19 =	spop (v2sf)  }
0x10d: {  	s25 =	sshll.u32 s19, $0xB  }
0x10e: {  	s19 =	sshll.u32 s19, $0x7;
	s20 =	sand.u32 $0xFFFFC000, s25  }
0x10f: {  	s19 =	sand.u32 $0x380, s19;
	s20 =	sadd.s32 s20, s1  }
0x110: {  	s19 =	sadd.s32 s19, s20  }
0x111: {  	s19 =	sshrl.u32 s19, $0x3  }
0x112: {  	[hbm:s10@s16], [sflag:s18] =	dma.strided [spmem:s19@s16], $0x100, s17, $0x10   }
0x113: {  	(v2sf) =	vpush v63, $0xC;
	_ =	sdelay $0xe  }
0x114: {  	s19 =	spop (v2sf)  }
0x115: {  	s21 =	sshll.u32 s19, $0xB  }
0x116: {  	s19 =	sshll.u32 s19, $0x7;
	s20 =	sand.u32 $0xFFFFC000, s21  }
0x117: {  	s19 =	sand.u32 $0x380, s19;
	s20 =	sadd.s32 s20, s1  }
0x118: {  	s19 =	sadd.s32 s19, s20  }
0x119: {  	s19 =	sshrl.u32 s19, $0x3  }
0x11a: {  	[hbm:s11@s16], [sflag:s18] =	dma.strided [spmem:s19@s16], $0x100, s17, $0x10   }
0x11b: {  	(v2sf) =	vpush v63, $0xD;
	_ =	sdelay $0xe  }
0x11c: {  	s19 =	spop (v2sf)  }
0x11d: {  	s23 =	sshll.u32 s19, $0xB  }
0x11e: {  	s19 =	sshll.u32 s19, $0x7;
	s20 =	sand.u32 $0xFFFFC000, s23  }
0x11f: {  	s19 =	sand.u32 $0x380, s19;
	s20 =	sadd.s32 s20, s1  }
0x120: {  	s19 =	sadd.s32 s19, s20  }
0x121: {  	s19 =	sshrl.u32 s19, $0x3  }
0x122: {  	[hbm:s12@s16], [sflag:s18] =	dma.strided [spmem:s19@s16], $0x100, s17, $0x10   }
0x123: {  	(v2sf) =	vpush v63, $0xE;
	_ =	sdelay $0xe  }
0x124: {  	s19 =	spop (v2sf)  }
0x125: {  	s24 =	sshll.u32 s19, $0xB  }
0x126: {  	s19 =	sshll.u32 s19, $0x7;
	s20 =	sand.u32 $0xFFFFC000, s24  }
0x127: {  	s19 =	sand.u32 $0x380, s19;
	s20 =	sadd.s32 s20, s1  }
0x128: {  	s19 =	sadd.s32 s19, s20  }
0x129: {  	s19 =	sshrl.u32 s19, $0x3  }
0x12a: {  	[hbm:s13@s16], [sflag:s18] =	dma.strided [spmem:s19@s16], $0x100, s17, $0x10   }
0x12b: {  	(v2sf) =	vpush v63, $0xF;
	_ =	sdelay $0xe  }
0x12c: {  	s19 =	spop (v2sf)  }
0x12d: {  	s25 =	sshll.u32 s19, $0xB  }
0x12e: {  	s19 =	sshll.u32 s19, $0x7;
	s20 =	sand.u32 $0xFFFFC000, s25  }
.Ltmp2:
0x12f: {  	s19 =	sand.u32 $0x380, s19;
	s20 =	sadd.s32 s20, s1;
	(pc) =	sbr.rel .LBB2_2-.Ltmp2, $4  }
0x130: {  	s19 =	sadd.s32 s19, s20  }
0x131: {  	s19 =	sshrl.u32 s19, $0x3  }
0x132: {  	[hbm:s14@s16], [sflag:s18] =	dma.strided [spmem:s19@s16], $0x100, s17, $0x10   }
0x133: {  	s21 =	simm.s32 $0x0;
	s20 =	simm.s32 $0x0;
	s19 =	simm.s32 $0x20  }
.LBB2_4:
0x134: {  	s20 =	sadd.s32 $0x1000, s20  }
0x135: {  	p0 =	sne.s32 s20, $0x40000  }
.Ltmp3:
0x136: {  	_ = 	snop;
	(pc) =	sbr.rel @!p0 .LBB2_5-.Ltmp3, $4  }
0x137: {  	_ = 	snop  }
0x138: {  	_ =	swait.ge [sflag:s17], $0x1000  }
0x139: {  	[sflag:s17] =	ssyncset.done $0x0  }
0x13a: {  	s21 =	sadd.s32 $0x1, s21;
	s19 =	sadd.s32 $0x10, s19;
	[sflag:s17] =	ssyncadd.s32 $0xFFFFF000  }
.LBB2_2:
0x13b: {  	p0 =	sgt.u32 s21, $0x3D  }
.Ltmp4:
0x13c: {  	_ = 	snop;
	(pc) =	sbr.rel @p0 .LBB2_4-.Ltmp4, $1  }
0x13d: {  	_ =	sdelay $0x3  }
0x13e: {  	v0 =	vld [tilespmem:s19+$0x0];
	_ =	sdelay $0x4  }
0x13f: {  	(v2sf) =	vpush v0, $0x0;
	_ =	sdelay $0xe  }
0x140: {  	s23 =	spop (v2sf)  }
0x141: {  	s24 =	sshll.u32 s23, $0xB  }
0x142: {  	s23 =	sshll.u32 s23, $0x7;
	s24 =	sand.u32 $0xFFFFC000, s24  }
0x143: {  	s23 =	sand.u32 $0x380, s23;
	s24 =	sadd.s32 s24, s1  }
0x144: {  	s24 =	sadd.s32 s23, s24;
	s23 =	sadd.s32 s20, s22  }
0x145: {  	s25 =	sadd.s32 $0x2000, s23;
	s24 =	sshrl.u32 s24, $0x3  }
0x146: {  	[hbm:s25@s16], [sflag:s18] =	dma.strided [spmem:s24@s16], $0x100, s17, $0x10   }
0x147: {  	(v2sf) =	vpush v0, $0x1;
	_ =	sdelay $0xe  }
0x148: {  	s24 =	spop (v2sf)  }
0x149: {  	s25 =	sshll.u32 s24, $0xB  }
0x14a: {  	s24 =	sshll.u32 s24, $0x7;
	s25 =	sand.u32 $0xFFFFC000, s25  }
0x14b: {  	s24 =	sand.u32 $0x380, s24;
	s25 =	sadd.s32 s25, s1  }
0x14c: {  	s24 =	sadd.s32 s24, s25  }
0x14d: {  	s25 =	sadd.s32 $0x2010, s23;
	s24 =	sshrl.u32 s24, $0x3  }
0x14e: {  	[hbm:s25@s16], [sflag:s18] =	dma.strided [spmem:s24@s16], $0x100, s17, $0x10   }
0x14f: {  	(v2sf) =	vpush v0, $0x2;
	_ =	sdelay $0xe  }
0x150: {  	s24 =	spop (v2sf)  }
0x151: {  	s25 =	sshll.u32 s24, $0xB  }
0x152: {  	s24 =	sshll.u32 s24, $0x7;
	s25 =	sand.u32 $0xFFFFC000, s25  }
0x153: {  	s24 =	sand.u32 $0x380, s24;
	s25 =	sadd.s32 s25, s1  }
0x154: {  	s24 =	sadd.s32 s24, s25  }
0x155: {  	s25 =	sadd.s32 $0x2020, s23;
	s24 =	sshrl.u32 s24, $0x3  }
0x156: {  	[hbm:s25@s16], [sflag:s18] =	dma.strided [spmem:s24@s16], $0x100, s17, $0x10   }
0x157: {  	(v2sf) =	vpush v0, $0x3;
	_ =	sdelay $0xe  }
0x158: {  	s24 =	spop (v2sf)  }
0x159: {  	s25 =	sshll.u32 s24, $0xB  }
0x15a: {  	s24 =	sshll.u32 s24, $0x7;
	s25 =	sand.u32 $0xFFFFC000, s25  }
0x15b: {  	s24 =	sand.u32 $0x380, s24;
	s25 =	sadd.s32 s25, s1  }
0x15c: {  	s24 =	sadd.s32 s24, s25  }
0x15d: {  	s25 =	sadd.s32 $0x2030, s23;
	s24 =	sshrl.u32 s24, $0x3  }
0x15e: {  	[hbm:s25@s16], [sflag:s18] =	dma.strided [spmem:s24@s16], $0x100, s17, $0x10   }
0x15f: {  	(v2sf) =	vpush v0, $0x4;
	_ =	sdelay $0xe  }
0x160: {  	s24 =	spop (v2sf)  }
0x161: {  	s25 =	sshll.u32 s24, $0xB  }
0x162: {  	s24 =	sshll.u32 s24, $0x7;
	s25 =	sand.u32 $0xFFFFC000, s25  }
0x163: {  	s24 =	sand.u32 $0x380, s24;
	s25 =	sadd.s32 s25, s1  }
0x164: {  	s24 =	sadd.s32 s24, s25  }
0x165: {  	s25 =	sadd.s32 $0x2040, s23;
	s24 =	sshrl.u32 s24, $0x3  }
0x166: {  	[hbm:s25@s16], [sflag:s18] =	dma.strided [spmem:s24@s16], $0x100, s17, $0x10   }
0x167: {  	(v2sf) =	vpush v0, $0x5;
	_ =	sdelay $0xe  }
0x168: {  	s24 =	spop (v2sf)  }
0x169: {  	s25 =	sshll.u32 s24, $0xB  }
0x16a: {  	s24 =	sshll.u32 s24, $0x7;
	s25 =	sand.u32 $0xFFFFC000, s25  }
0x16b: {  	s24 =	sand.u32 $0x380, s24;
	s25 =	sadd.s32 s25, s1  }
0x16c: {  	s24 =	sadd.s32 s24, s25  }
0x16d: {  	s25 =	sadd.s32 $0x2050, s23;
	s24 =	sshrl.u32 s24, $0x3  }
0x16e: {  	[hbm:s25@s16], [sflag:s18] =	dma.strided [spmem:s24@s16], $0x100, s17, $0x10   }
0x16f: {  	(v2sf) =	vpush v0, $0x6;
	_ =	sdelay $0xe  }
0x170: {  	s24 =	spop (v2sf)  }
0x171: {  	s25 =	sshll.u32 s24, $0xB  }
0x172: {  	s24 =	sshll.u32 s24, $0x7;
	s25 =	sand.u32 $0xFFFFC000, s25  }
0x173: {  	s24 =	sand.u32 $0x380, s24;
	s25 =	sadd.s32 s25, s1  }
0x174: {  	s24 =	sadd.s32 s24, s25  }
0x175: {  	s25 =	sadd.s32 $0x2060, s23;
	s24 =	sshrl.u32 s24, $0x3  }
0x176: {  	[hbm:s25@s16], [sflag:s18] =	dma.strided [spmem:s24@s16], $0x100, s17, $0x10   }
0x177: {  	(v2sf) =	vpush v0, $0x7;
	_ =	sdelay $0xe  }
0x178: {  	s24 =	spop (v2sf)  }
0x179: {  	s25 =	sshll.u32 s24, $0xB  }
0x17a: {  	s24 =	sshll.u32 s24, $0x7;
	s25 =	sand.u32 $0xFFFFC000, s25  }
0x17b: {  	s24 =	sand.u32 $0x380, s24;
	s25 =	sadd.s32 s25, s1  }
0x17c: {  	s24 =	sadd.s32 s24, s25  }
0x17d: {  	s25 =	sadd.s32 $0x2070, s23;
	s24 =	sshrl.u32 s24, $0x3  }
0x17e: {  	[hbm:s25@s16], [sflag:s18] =	dma.strided [spmem:s24@s16], $0x100, s17, $0x10   }
0x17f: {  	(v2sf) =	vpush v0, $0x8;
	_ =	sdelay $0xe  }
0x180: {  	s24 =	spop (v2sf)  }
0x181: {  	s25 =	sshll.u32 s24, $0xB  }
0x182: {  	s24 =	sshll.u32 s24, $0x7;
	s25 =	sand.u32 $0xFFFFC000, s25  }
0x183: {  	s24 =	sand.u32 $0x380, s24;
	s25 =	sadd.s32 s25, s1  }
0x184: {  	s24 =	sadd.s32 s24, s25  }
0x185: {  	s25 =	sadd.s32 $0x2800, s23;
	s24 =	sshrl.u32 s24, $0x3  }
0x186: {  	[hbm:s25@s16], [sflag:s18] =	dma.strided [spmem:s24@s16], $0x100, s17, $0x10   }
0x187: {  	(v2sf) =	vpush v0, $0x9;
	_ =	sdelay $0xe  }
0x188: {  	s24 =	spop (v2sf)  }
0x189: {  	s25 =	sshll.u32 s24, $0xB  }
0x18a: {  	s24 =	sshll.u32 s24, $0x7;
	s25 =	sand.u32 $0xFFFFC000, s25  }
0x18b: {  	s24 =	sand.u32 $0x380, s24;
	s25 =	sadd.s32 s25, s1  }
0x18c: {  	s24 =	sadd.s32 s24, s25  }
0x18d: {  	s25 =	sadd.s32 $0x2810, s23;
	s24 =	sshrl.u32 s24, $0x3  }
0x18e: {  	[hbm:s25@s16], [sflag:s18] =	dma.strided [spmem:s24@s16], $0x100, s17, $0x10   }
0x18f: {  	(v2sf) =	vpush v0, $0xA;
	_ =	sdelay $0xe  }
0x190: {  	s24 =	spop (v2sf)  }
0x191: {  	s25 =	sshll.u32 s24, $0xB  }
0x192: {  	s24 =	sshll.u32 s24, $0x7;
	s25 =	sand.u32 $0xFFFFC000, s25  }
0x193: {  	s24 =	sand.u32 $0x380, s24;
	s25 =	sadd.s32 s25, s1  }
0x194: {  	s24 =	sadd.s32 s24, s25  }
0x195: {  	s25 =	sadd.s32 $0x2820, s23;
	s24 =	sshrl.u32 s24, $0x3  }
0x196: {  	[hbm:s25@s16], [sflag:s18] =	dma.strided [spmem:s24@s16], $0x100, s17, $0x10   }
0x197: {  	(v2sf) =	vpush v0, $0xB;
	_ =	sdelay $0xe  }
0x198: {  	s24 =	spop (v2sf)  }
0x199: {  	s25 =	sshll.u32 s24, $0xB  }
0x19a: {  	s24 =	sshll.u32 s24, $0x7;
	s25 =	sand.u32 $0xFFFFC000, s25  }
0x19b: {  	s24 =	sand.u32 $0x380, s24;
	s25 =	sadd.s32 s25, s1  }
0x19c: {  	s24 =	sadd.s32 s24, s25  }
0x19d: {  	s25 =	sadd.s32 $0x2830, s23;
	s24 =	sshrl.u32 s24, $0x3  }
0x19e: {  	[hbm:s25@s16], [sflag:s18] =	dma.strided [spmem:s24@s16], $0x100, s17, $0x10   }
0x19f: {  	(v2sf) =	vpush v0, $0xC;
	_ =	sdelay $0xe  }
0x1a0: {  	s24 =	spop (v2sf)  }
0x1a1: {  	s25 =	sshll.u32 s24, $0xB  }
0x1a2: {  	s24 =	sshll.u32 s24, $0x7;
	s25 =	sand.u32 $0xFFFFC000, s25  }
0x1a3: {  	s24 =	sand.u32 $0x380, s24;
	s25 =	sadd.s32 s25, s1  }
0x1a4: {  	s24 =	sadd.s32 s24, s25  }
0x1a5: {  	s25 =	sadd.s32 $0x2840, s23;
	s24 =	sshrl.u32 s24, $0x3  }
0x1a6: {  	[hbm:s25@s16], [sflag:s18] =	dma.strided [spmem:s24@s16], $0x100, s17, $0x10   }
0x1a7: {  	(v2sf) =	vpush v0, $0xD;
	_ =	sdelay $0xe  }
0x1a8: {  	s24 =	spop (v2sf)  }
0x1a9: {  	s25 =	sshll.u32 s24, $0xB  }
0x1aa: {  	s24 =	sshll.u32 s24, $0x7;
	s25 =	sand.u32 $0xFFFFC000, s25  }
0x1ab: {  	s24 =	sand.u32 $0x380, s24;
	s25 =	sadd.s32 s25, s1  }
0x1ac: {  	s24 =	sadd.s32 s24, s25  }
0x1ad: {  	s25 =	sadd.s32 $0x2850, s23;
	s24 =	sshrl.u32 s24, $0x3  }
0x1ae: {  	[hbm:s25@s16], [sflag:s18] =	dma.strided [spmem:s24@s16], $0x100, s17, $0x10   }
0x1af: {  	(v2sf) =	vpush v0, $0xE;
	_ =	sdelay $0xe  }
0x1b0: {  	s24 =	spop (v2sf)  }
0x1b1: {  	s25 =	sshll.u32 s24, $0xB  }
0x1b2: {  	s24 =	sshll.u32 s24, $0x7;
	s25 =	sand.u32 $0xFFFFC000, s25  }
0x1b3: {  	s24 =	sand.u32 $0x380, s24;
	s25 =	sadd.s32 s25, s1  }
0x1b4: {  	s24 =	sadd.s32 s24, s25  }
0x1b5: {  	s25 =	sadd.s32 $0x2860, s23;
	s24 =	sshrl.u32 s24, $0x3  }
0x1b6: {  	[hbm:s25@s16], [sflag:s18] =	dma.strided [spmem:s24@s16], $0x100, s17, $0x10   }
0x1b7: {  	(v2sf) =	vpush v0, $0xF;
	_ =	sdelay $0xe  }
0x1b8: {  	s24 =	spop (v2sf)  }
0x1b9: {  	s25 =	sshll.u32 s24, $0xB  }
.Ltmp5:
0x1ba: {  	s24 =	sshll.u32 s24, $0x7;
	s25 =	sand.u32 $0xFFFFC000, s25;
	(pc) =	sbr.rel .LBB2_4-.Ltmp5, $4  }
0x1bb: {  	s24 =	sand.u32 $0x380, s24;
	s25 =	sadd.s32 s25, s1  }
0x1bc: {  	s24 =	sadd.s32 s24, s25  }
0x1bd: {  	s23 =	sadd.s32 $0x2870, s23;
	s24 =	sshrl.u32 s24, $0x3  }
0x1be: {  	[hbm:s23@s16], [sflag:s18] =	dma.strided [spmem:s24@s16], $0x100, s17, $0x10   }
.LBB2_6:
0x1bf: {  	_ =	sfence.sel $0x180000  }
0x1c0: {  	[bflag:$0x0] =	sbarrier.arrive $0xFFFF  }
0x1c1: {  	_ =	strace $0x90000047  }
0x1c2: {  	s0 =	stileid.u32;
	[bflag:$0x2] =	sbarrier.arrive $0xFFFF  }
0x1c3: {  	p0 =	sne.s32 s0, $0x0;
	s0 =	rddreg [dreg:$0x4]  }
0x1c4: {  	s0 =	sadd.s32 @!p0 $0x100000, s0  }
0x1c5: {  	[sflag:s0] =	ssyncadd.tile.s32 @!p0 $0x1;
	_ =	shalt  }
.Lfunc_end2:
_tile_overlayer_lowered:
.L_overlay_start_2:
0x1c6: {  	(tag) =	ssettag $0x2  }
0x1c7: {  	s0 =	rddreg [dreg:$0x0];
	s2 =	stileid.u32  }
0x1c8: {  	s1 =	rddreg [dreg:$0x1];
	p0 =	sne.s32 s2, $0x0  }
0x1c9: {  	s3 =	rddreg [dreg:$0x2];
	[bflag:$0x3] =	sbarrier.arrive $0xFFFF;
	s2 =	simm.s32 @!p0 $0x1C02  }
0x1ca: {  	[timem:s3], [sflag:s2] =	dma.local @!p0 [hbm:s0], s1  }
0x1cb: {  	s0 =	simm.s32 @!p0 $0x2  }
0x1cc: {  	_ =	swait.ge @!p0 [sflag:s0], s1  }
0x1cd: {  	s1 =	ssub.s32 @!p0 $0x0, s1;
	[sflag:s0] =	ssyncset.done @!p0 $0x0  }
0x1ce: {  	[sflag:s0] =	ssyncadd.s32 @!p0 s1  }
0x1cf: {  	[bflag:$0x3] =	sbarrier.arrive $0xFFFF  }
0x1d0: {  	_ =	shalt  }

</sc_bundles>
